<compile_context>
chip_gen: v7x
topology: tpu7x:2x2x1
jax: 0.10.2.dev20260603
libtpu: 0.0.44.dev20260713+nightly
codegen_flags: <defaults>
</compile_context>

<pallas_src>
import functools

import jax
import jax.numpy as jnp
from jax import lax
from jax.experimental import pallas as pl
from jax.experimental.pallas import tpu as pltpu
from jax.experimental.pallas import tpu_sc as plsc

_K = 20
_NC, _NS, _L = 2, 16, 16
_NW = _NC * _NS



def _topk_body(R, N, K, x_full_ref, x_tile_ref, idx_ref):
    b = pl.program_id(0)
    xt = x_full_ref[0]
    xc = x_tile_ref[0]
    g = lax.dot_general(xc, xt, (((0,), (0,)), ((), ())),
                        preferred_element_type=jnp.float32)
    xxf = jnp.sum(xt * xt, axis=0, keepdims=True)
    xxc = jnp.sum(xc * xc, axis=0)[:, None]
    dist = 2.0 * g - xxc - xxf
    iota = lax.broadcasted_iota(jnp.int32, (R, N), 1)
    cols = []
    for t in range(K):
        ji = jnp.argmax(dist, axis=1)[:, None].astype(jnp.int32)
        cols.append(ji)
        if t < K - 1:
            dist = jnp.where(iota == ji, -jnp.inf, dist)
    idx_ref[0] = jnp.concatenate(cols, axis=1) + b * N


def _run_topk(x, R, K):
    B, C, N = x.shape
    return pl.pallas_call(
        functools.partial(_topk_body, R, N, K),
        grid=(B, N // R),
        in_specs=[
            pl.BlockSpec((1, C, N), lambda b, r: (b, 0, 0)),
            pl.BlockSpec((1, C, R), lambda b, r: (b, 0, r)),
        ],
        out_specs=pl.BlockSpec((1, R, K), lambda b, r: (b, r, 0)),
        out_shape=jax.ShapeDtypeStruct((B, N, K), jnp.int32),
    )(x, x)



def _pq_body(x_ref, w_ref, bias_ref, pT_ref, qT_ref):
    xb = x_ref[0]
    w = w_ref[...]
    c = xb.shape[0]
    w1 = w[:, :c]
    w2 = w[:, c:]
    dn = (((0,), (1,)), ((), ()))
    qT = lax.dot_general(xb, w2, dn, preferred_element_type=jnp.float32)
    n, o = qT.shape
    qT_ref[0] = jnp.concatenate(
        [qT, jnp.zeros((n, 128 - o), jnp.float32)], axis=1)
    pT = lax.dot_general(xb, w1 - w2, dn, preferred_element_type=jnp.float32)
    pT_ref[0] = pT + bias_ref[...][None, :]


def _run_pq(x, w, bias):
    B, C, N = x.shape
    O = w.shape[0]
    return pl.pallas_call(
        _pq_body,
        grid=(B,),
        in_specs=[
            pl.BlockSpec((1, C, N), lambda b: (b, 0, 0)),
            pl.BlockSpec(w.shape, lambda b: (0, 0)),
            pl.BlockSpec(bias.shape, lambda b: (0,)),
        ],
        out_specs=[
            pl.BlockSpec((1, N, O), lambda b: (b, 0, 0)),
            pl.BlockSpec((1, N, 128), lambda b: (b, 0, 0)),
        ],
        out_shape=[jax.ShapeDtypeStruct((B, N, O), jnp.float32),
                   jax.ShapeDtypeStruct((B, N, 128), jnp.float32)],
    )(x, w, bias)



def _sc_gather_body(K, G, RPW, O, qT_hbm, idx_hbm,
                    s_hbm, s2_hbm, mx_hbm, mn_hbm,
                    idx_v, gath_v, s_v, s2_v, mx_v, mn_v, sem):
    wid = lax.axis_index("s") * _NC + lax.axis_index("c")
    base = wid * RPW
    n_idx_rows = (G * K) // 128
    pltpu.sync_copy(idx_hbm.at[pl.ds(wid * ((RPW * K) // 128),
                                     (RPW * K) // 128)], idx_v)

    def chunk(ci, carry):
        r0 = base + ci * G
        copies = [
            pltpu.async_copy(qT_hbm.at[idx_v.at[ci * n_idx_rows + i]],
                             gath_v.at[pl.ds(i * 128, 128)], sem)
            for i in range(n_idx_rows)
        ]
        for cp in copies:
            cp.wait()

        def row(g, carry2):
            for c4 in range(O // _L):
                sl = pl.ds(c4 * _L, _L)
                v = gath_v[g * K, sl]
                s, s2, mx, mn = v, v * v, v, v
                for j in range(1, K):
                    v = gath_v[g * K + j, sl]
                    s = s + v
                    s2 = s2 + v * v
                    mx = jnp.maximum(mx, v)
                    mn = jnp.minimum(mn, v)
                s_v[g, sl] = s
                s2_v[g, sl] = s2
                mx_v[g, sl] = mx
                mn_v[g, sl] = mn
            return carry2

        lax.fori_loop(0, G, row, 0)
        pltpu.sync_copy(s_v, s_hbm.at[pl.ds(r0, G)])
        pltpu.sync_copy(s2_v, s2_hbm.at[pl.ds(r0, G)])
        pltpu.sync_copy(mx_v, mx_hbm.at[pl.ds(r0, G)])
        pltpu.sync_copy(mn_v, mn_hbm.at[pl.ds(r0, G)])
        return carry

    lax.fori_loop(0, RPW // G, chunk, 0)


def _run_sc_gather(qT2, idx2d, K, O):
    BN = qT2.shape[0]
    G = 32
    RPW = BN // _NW
    mesh = plsc.VectorSubcoreMesh(core_axis_name="c", subcore_axis_name="s",
                                  num_cores=_NC, num_subcores=_NS)
    out = jax.ShapeDtypeStruct((BN, O), jnp.float32)
    kern = pl.kernel(
        functools.partial(_sc_gather_body, K, G, RPW, O),
        out_type=[out, out, out, out],
        mesh=mesh,
        scratch_types=[
            pltpu.VMEM(((RPW * K) // 128, 128), jnp.int32),
            pltpu.VMEM((G * K, 128), jnp.float32),
            pltpu.VMEM((G, O), jnp.float32),
            pltpu.VMEM((G, O), jnp.float32),
            pltpu.VMEM((G, O), jnp.float32),
            pltpu.VMEM((G, O), jnp.float32),
            pltpu.SemaphoreType.DMA,
        ],
    )
    return kern(qT2, idx2d)



def _stats_body(K, pT_ref, s_ref, s2_ref, sx_ref, sx2_ref):
    p = pT_ref[...]
    s = s_ref[...]
    s2 = s2_ref[...]
    kf = float(K)
    sx_ref[...] = jnp.sum(kf * p + s, axis=0, keepdims=True)
    sx2_ref[...] = jnp.sum(kf * p * p + 2.0 * p * s + s2, axis=0,
                           keepdims=True)


def _run_stats(pT2, s, s2, K):
    BN, O = pT2.shape
    out = jax.ShapeDtypeStruct((1, O), jnp.float32)
    return pl.pallas_call(
        functools.partial(_stats_body, K),
        out_shape=[out, out],
    )(pT2, s, s2)



def _final_body(pT_ref, mx_ref, mn_ref, scale_ref, shift_ref, gpos_ref,
                out_ref):
    z = pT_ref[...] + jnp.where(gpos_ref[...] > 0.5, mx_ref[...], mn_ref[...])
    out_ref[...] = jnp.maximum(z * scale_ref[...] + shift_ref[...], 0.0)


def _run_final(pT2, mx, mn, scale, shift, gpos):
    BN, O = pT2.shape
    RE = min(2048, BN)
    row_spec = pl.BlockSpec((RE, O), lambda r: (r, 0))
    vec_spec = pl.BlockSpec((1, O), lambda r: (0, 0))
    return pl.pallas_call(
        _final_body,
        grid=(BN // RE,),
        in_specs=[row_spec, row_spec, row_spec, vec_spec, vec_spec, vec_spec],
        out_specs=row_spec,
        out_shape=jax.ShapeDtypeStruct((BN, O), jnp.float32),
    )(pT2, mx, mn, scale, shift, gpos)



def kernel(x, W, b, gamma, beta):
    B, C, N = x.shape
    O = W.shape[0]
    K = _K
    BN = B * N

    idx = _run_topk(x, 256, K)
    idx2d = idx.reshape((BN * K) // 128, 128)

    pT, qT = _run_pq(x, W, b)
    pT2 = pT.reshape(BN, O)
    qT2 = qT.reshape(BN, 128)

    s, s2, mx, mn = _run_sc_gather(qT2, idx2d, K, O)

    sx, sx2 = _run_stats(pT2, s, s2, K)
    cnt = float(BN * K)
    mean = sx[0] / cnt
    var = sx2[0] / cnt - mean * mean
    scale = gamma / jnp.sqrt(var + 1e-5)
    shift = beta - mean * scale
    gpos = (gamma >= 0).astype(jnp.float32)

    outE = _run_final(pT2, mx, mn, scale.reshape(1, O), shift.reshape(1, O),
                      gpos.reshape(1, O))
    return outE.reshape(B, N, O).transpose(0, 2, 1)

# --- scband reference (transcript-rebuilt; emitter-appended) ---
"""Pipeline reference for scband-edge-conv-torch-19842748908334 (READ-ONLY COPY).

The authoritative reference and input builder live on the scoring server;
editing this copy changes nothing except your own understanding.
"""

import jax, jax.numpy as jnp
import numpy as np


def setup_inputs(seed: int = 0) -> dict:
    key = jax.random.key(seed)
    k1, k2, k3, k4, k5 = jax.random.split(key, 5)
    B, C, N = 4, 64, 4096
    out_c = 64
    x = jax.random.normal(k1, (B, C, N), dtype=jnp.float32)
    # Conv2d(2*C, out_c, kernel_size=1) -> weight [out_c, 2*C], bias [out_c]
    W = jax.random.normal(k2, (out_c, 2 * C), dtype=jnp.float32) * (1.0 / np.sqrt(2 * C))
    b = jax.random.normal(k3, (out_c,), dtype=jnp.float32) * 0.01
    # BatchNorm2d affine params
    gamma = jnp.ones((out_c,), dtype=jnp.float32)
    beta = jnp.zeros((out_c,), dtype=jnp.float32)
    return {"x": x, "W": W, "b": b, "gamma": gamma, "beta": beta}


def _knn(x, k):
    # x: [B, C, N]
    xt = jnp.transpose(x, (0, 2, 1))  # [B, N, C]
    inner = -2.0 * jnp.matmul(xt, x)  # [B, N, N]
    xx = jnp.sum(x ** 2, axis=1, keepdims=True)  # [B, 1, N]
    pairwise_distance = -xx - inner - jnp.transpose(xx, (0, 2, 1))  # [B, N, N]
    idx = jax.lax.top_k(pairwise_distance, k)[1]  # [B, N, k]
    return idx


def reference(x, W, b, gamma, beta):
    k = 20
    B, C, N = x.shape
    idx = _knn(x, k)  # [B, N, k]
    idx_base = jnp.arange(B, dtype=idx.dtype).reshape(-1, 1, 1) * N
    idx_flat = (idx + idx_base).reshape(-1)
    xt = jnp.transpose(x, (0, 2, 1))  # [B, N, C]
    feature = jnp.take(xt.reshape(B * N, C), idx_flat, axis=0).reshape(B, N, k, C)
    x_exp = jnp.broadcast_to(xt.reshape(B, N, 1, C), (B, N, k, C))
    edge_feature = jnp.concatenate([x_exp, feature - x_exp], axis=3)  # [B, N, k, 2C]
    edge_feature = jnp.transpose(edge_feature, (0, 3, 1, 2))  # [B, 2C, N, k]
    # 1x1 Conv2d
    out = jnp.einsum('oc,bcnk->bonk', W, edge_feature) + b.reshape(1, -1, 1, 1)
    # BatchNorm2d (training mode: batch statistics over B, N, k)
    mean = jnp.mean(out, axis=(0, 2, 3), keepdims=True)
    var = jnp.var(out, axis=(0, 2, 3), keepdims=True)
    out = (out - mean) / jnp.sqrt(var + 1e-5)
    out = gamma.reshape(1, -1, 1, 1) * out + beta.reshape(1, -1, 1, 1)
    out = jax.nn.relu(out)
    out = jnp.max(out, axis=-1)  # [B, out_c, N]
    return out

if __name__ == "__main__":
    import jax
    _d = setup_inputs()
    print(jax.jit(kernel)(*tuple(_d.values())))

</pallas_src>

<mosaic_0001>
#map = affine_map<(d0, d1) -> (0, 0)>
module attributes {stable_mosaic.version = 14 : i64} {
  func.func @_sc_gather_body(%arg0: i32, %arg1: i32, %arg2: memref<16384x128xf32, #tpu.memory_space<hbm>>, %arg3: memref<2560x128xi32, #tpu.memory_space<hbm>>, %arg4: memref<16384x64xf32, #tpu.memory_space<hbm>>, %arg5: memref<16384x64xf32, #tpu.memory_space<hbm>>, %arg6: memref<16384x64xf32, #tpu.memory_space<hbm>>, %arg7: memref<16384x64xf32, #tpu.memory_space<hbm>>, %arg8: memref<80x128xi32, #tpu.memory_space<vmem>>, %arg9: memref<640x128xf32, #tpu.memory_space<vmem>>, %arg10: memref<32x64xf32, #tpu.memory_space<vmem>>, %arg11: memref<32x64xf32, #tpu.memory_space<vmem>>, %arg12: memref<32x64xf32, #tpu.memory_space<vmem>>, %arg13: memref<32x64xf32, #tpu.memory_space<vmem>>, %arg14: memref<!tpu.dma_semaphore, #tpu.memory_space<semaphore_mem>>) attributes {dimension_semantics = [#tpu.dimension_semantics<core_parallel>, #tpu.dimension_semantics<subcore_parallel>], iteration_bounds = array<i64: 2, 16>, scalar_prefetch = 0 : i64, scratch_operands = 7 : i64, tpu.core_type = #tpu.core_type<sc_vector_subcore>, window_params = [{transform_indices = #map}, {transform_indices = #map}, {transform_indices = #map}, {transform_indices = #map}, {transform_indices = #map}, {transform_indices = #map}]} {
    %mul3A = arith.constant 2 : i32
    %mul3A_0 = arith.muli %arg1, %mul3A : i32
    %add3A = arith.addi %mul3A_0, %arg0 : i32
    %mul3A_1 = arith.constant 512 : i32
    %mul3A_2 = arith.muli %add3A, %mul3A_1 : i32
    %mul3A_3 = arith.constant 80 : i32
    %mul3A_4 = arith.muli %add3A, %mul3A_3 : i32
    "tpu.region"() ({
      %run_scoped3A = tpu.sem_alloc : memref<!tpu.dma_semaphore, #tpu.memory_space<semaphore_mem>>
      %dma_start3A = arith.constant 0 : i32
      %dma_start3A_10 = tpu.memref_slice %arg3[%mul3A_4, %dma_start3A] : memref<2560x128xi32, #tpu.memory_space<hbm>> -> memref<80x128xi32, #tpu.memory_space<hbm>>
      %dma_start3A_11 = arith.constant 0 : i32
      %dma_start3A_12 = tpu.memref_slice %arg3[%mul3A_4, %dma_start3A_11] : memref<2560x128xi32, #tpu.memory_space<hbm>> -> memref<80x128xi32, #tpu.memory_space<hbm>>
      tpu.enqueue_dma source(%dma_start3A_12 : memref<80x128xi32, #tpu.memory_space<hbm>>) target(%arg8 : memref<80x128xi32, #tpu.memory_space<vmem>>) target_semaphore(%run_scoped3A : memref<!tpu.dma_semaphore, #tpu.memory_space<semaphore_mem>>)
      %dma_wait3A = arith.constant 0 : i32
      %dma_wait3A_13 = tpu.memref_slice %arg3[%mul3A_4, %dma_wait3A] : memref<2560x128xi32, #tpu.memory_space<hbm>> -> memref<80x128xi32, #tpu.memory_space<hbm>>
      %dma_wait3A_14 = arith.constant 0 : i32
      %dma_wait3A_15 = tpu.memref_slice %arg3[%mul3A_4, %dma_wait3A_14] : memref<2560x128xi32, #tpu.memory_space<hbm>> -> memref<80x128xi32, #tpu.memory_space<hbm>>
      tpu.wait_dma2 semaphore(%run_scoped3A : memref<!tpu.dma_semaphore, #tpu.memory_space<semaphore_mem>>) src(%dma_wait3A_15 : memref<80x128xi32, #tpu.memory_space<hbm>>) dst(%arg8 : memref<80x128xi32, #tpu.memory_space<vmem>>)
      tpu.yield
    }) : () -> ()
    %scan3A = arith.constant 0 : i32
    %scan3A_5 = arith.constant 0 : i32
    %scan3A_6 = arith.constant 16 : i32
    %scan3A_7 = arith.addi %scan3A_5, %scan3A_6 : i32
    %scan3A_8 = arith.constant 1 : i32
    scf.for %scan3A_10 = %scan3A_5 to %scan3A_7 step %scan3A_8  : i32 {
      %mul3A_11 = arith.constant 32 : i32
      %mul3A_12 = arith.muli %scan3A_10, %mul3A_11 : i32
      %add3A_13 = arith.addi %mul3A_2, %mul3A_12 : i32
      %mul3A_14 = arith.constant 5 : i32
      %mul3A_15 = arith.muli %scan3A_10, %mul3A_14 : i32
      %add3A_16 = arith.constant 0 : i32
      %add3A_17 = arith.addi %mul3A_15, %add3A_16 : i32
      %dma_start3A = arith.constant 0 : i32
      %dma_start3A_18 = arith.constant 0 : i32
      %dma_start3A_19 = tpu.memref_slice %arg9[%dma_start3A, %dma_start3A_18] : memref<640x128xf32, #tpu.memory_space<vmem>> -> memref<128x128xf32, #tpu.memory_space<vmem>>
      %dma_start3A_20 = arith.constant 0 : i32
      %dma_start3A_21 = tpu.memref_slice %arg8[%add3A_17, %dma_start3A_20] : memref<80x128xi32, #tpu.memory_space<vmem>> -> memref<1x128xi32, #tpu.memory_space<vmem>>
      %dma_start3A_22 = tpu.memref_squeeze %dma_start3A_21 : memref<1x128xi32, #tpu.memory_space<vmem>> -> memref<128xi32, #tpu.memory_space<vmem>>
      %dma_start3A_23 = arith.constant 0 : i32
      %dma_start3A_24 = arith.constant 0 : i32
      %dma_start3A_25 = tpu.memref_slice %arg2[%dma_start3A_23, %dma_start3A_24] : memref<16384x128xf32, #tpu.memory_space<hbm>> -> memref<16384x128xf32, #tpu.memory_space<hbm>>
      tpu.enqueue_indirect_dma source(%dma_start3A_25 : memref<16384x128xf32, #tpu.memory_space<hbm>>) target(%dma_start3A_19 : memref<128x128xf32, #tpu.memory_space<vmem>>) offsets(%dma_start3A_22 : memref<128xi32, #tpu.memory_space<vmem>>) semaphore(%arg14 : memref<!tpu.dma_semaphore, #tpu.memory_space<semaphore_mem>>)
      %mul3A_26 = arith.constant 5 : i32
      %mul3A_27 = arith.muli %scan3A_10, %mul3A_26 : i32
      %add3A_28 = arith.constant 1 : i32
      %add3A_29 = arith.addi %mul3A_27, %add3A_28 : i32
      %dma_start3A_30 = arith.constant 128 : i32
      %dma_start3A_31 = arith.constant 0 : i32
      %dma_start3A_32 = tpu.memref_slice %arg9[%dma_start3A_30, %dma_start3A_31] : memref<640x128xf32, #tpu.memory_space<vmem>> -> memref<128x128xf32, #tpu.memory_space<vmem>>
      %dma_start3A_33 = arith.constant 0 : i32
      %dma_start3A_34 = tpu.memref_slice %arg8[%add3A_29, %dma_start3A_33] : memref<80x128xi32, #tpu.memory_space<vmem>> -> memref<1x128xi32, #tpu.memory_space<vmem>>
      %dma_start3A_35 = tpu.memref_squeeze %dma_start3A_34 : memref<1x128xi32, #tpu.memory_space<vmem>> -> memref<128xi32, #tpu.memory_space<vmem>>
      %dma_start3A_36 = arith.constant 0 : i32
      %dma_start3A_37 = arith.constant 0 : i32
      %dma_start3A_38 = tpu.memref_slice %arg2[%dma_start3A_36, %dma_start3A_37] : memref<16384x128xf32, #tpu.memory_space<hbm>> -> memref<16384x128xf32, #tpu.memory_space<hbm>>
      tpu.enqueue_indirect_dma source(%dma_start3A_38 : memref<16384x128xf32, #tpu.memory_space<hbm>>) target(%dma_start3A_32 : memref<128x128xf32, #tpu.memory_space<vmem>>) offsets(%dma_start3A_35 : memref<128xi32, #tpu.memory_space<vmem>>) semaphore(%arg14 : memref<!tpu.dma_semaphore, #tpu.memory_space<semaphore_mem>>)
      %mul3A_39 = arith.constant 5 : i32
      %mul3A_40 = arith.muli %scan3A_10, %mul3A_39 : i32
      %add3A_41 = arith.constant 2 : i32
      %add3A_42 = arith.addi %mul3A_40, %add3A_41 : i32
      %dma_start3A_43 = arith.constant 256 : i32
      %dma_start3A_44 = arith.constant 0 : i32
      %dma_start3A_45 = tpu.memref_slice %arg9[%dma_start3A_43, %dma_start3A_44] : memref<640x128xf32, #tpu.memory_space<vmem>> -> memref<128x128xf32, #tpu.memory_space<vmem>>
      %dma_start3A_46 = arith.constant 0 : i32
      %dma_start3A_47 = tpu.memref_slice %arg8[%add3A_42, %dma_start3A_46] : memref<80x128xi32, #tpu.memory_space<vmem>> -> memref<1x128xi32, #tpu.memory_space<vmem>>
      %dma_start3A_48 = tpu.memref_squeeze %dma_start3A_47 : memref<1x128xi32, #tpu.memory_space<vmem>> -> memref<128xi32, #tpu.memory_space<vmem>>
      %dma_start3A_49 = arith.constant 0 : i32
      %dma_start3A_50 = arith.constant 0 : i32
      %dma_start3A_51 = tpu.memref_slice %arg2[%dma_start3A_49, %dma_start3A_50] : memref<16384x128xf32, #tpu.memory_space<hbm>> -> memref<16384x128xf32, #tpu.memory_space<hbm>>
      tpu.enqueue_indirect_dma source(%dma_start3A_51 : memref<16384x128xf32, #tpu.memory_space<hbm>>) target(%dma_start3A_45 : memref<128x128xf32, #tpu.memory_space<vmem>>) offsets(%dma_start3A_48 : memref<128xi32, #tpu.memory_space<vmem>>) semaphore(%arg14 : memref<!tpu.dma_semaphore, #tpu.memory_space<semaphore_mem>>)
      %mul3A_52 = arith.constant 5 : i32
      %mul3A_53 = arith.muli %scan3A_10, %mul3A_52 : i32
      %add3A_54 = arith.constant 3 : i32
      %add3A_55 = arith.addi %mul3A_53, %add3A_54 : i32
      %dma_start3A_56 = arith.constant 384 : i32
      %dma_start3A_57 = arith.constant 0 : i32
      %dma_start3A_58 = tpu.memref_slice %arg9[%dma_start3A_56, %dma_start3A_57] : memref<640x128xf32, #tpu.memory_space<vmem>> -> memref<128x128xf32, #tpu.memory_space<vmem>>
      %dma_start3A_59 = arith.constant 0 : i32
      %dma_start3A_60 = tpu.memref_slice %arg8[%add3A_55, %dma_start3A_59] : memref<80x128xi32, #tpu.memory_space<vmem>> -> memref<1x128xi32, #tpu.memory_space<vmem>>
      %dma_start3A_61 = tpu.memref_squeeze %dma_start3A_60 : memref<1x128xi32, #tpu.memory_space<vmem>> -> memref<128xi32, #tpu.memory_space<vmem>>
      %dma_start3A_62 = arith.constant 0 : i32
      %dma_start3A_63 = arith.constant 0 : i32
      %dma_start3A_64 = tpu.memref_slice %arg2[%dma_start3A_62, %dma_start3A_63] : memref<16384x128xf32, #tpu.memory_space<hbm>> -> memref<16384x128xf32, #tpu.memory_space<hbm>>
      tpu.enqueue_indirect_dma source(%dma_start3A_64 : memref<16384x128xf32, #tpu.memory_space<hbm>>) target(%dma_start3A_58 : memref<128x128xf32, #tpu.memory_space<vmem>>) offsets(%dma_start3A_61 : memref<128xi32, #tpu.memory_space<vmem>>) semaphore(%arg14 : memref<!tpu.dma_semaphore, #tpu.memory_space<semaphore_mem>>)
      %mul3A_65 = arith.constant 5 : i32
      %mul3A_66 = arith.muli %scan3A_10, %mul3A_65 : i32
      %add3A_67 = arith.constant 4 : i32
      %add3A_68 = arith.addi %mul3A_66, %add3A_67 : i32
      %dma_start3A_69 = arith.constant 512 : i32
      %dma_start3A_70 = arith.constant 0 : i32
      %dma_start3A_71 = tpu.memref_slice %arg9[%dma_start3A_69, %dma_start3A_70] : memref<640x128xf32, #tpu.memory_space<vmem>> -> memref<128x128xf32, #tpu.memory_space<vmem>>
      %dma_start3A_72 = arith.constant 0 : i32
      %dma_start3A_73 = tpu.memref_slice %arg8[%add3A_68, %dma_start3A_72] : memref<80x128xi32, #tpu.memory_space<vmem>> -> memref<1x128xi32, #tpu.memory_space<vmem>>
      %dma_start3A_74 = tpu.memref_squeeze %dma_start3A_73 : memref<1x128xi32, #tpu.memory_space<vmem>> -> memref<128xi32, #tpu.memory_space<vmem>>
      %dma_start3A_75 = arith.constant 0 : i32
      %dma_start3A_76 = arith.constant 0 : i32
      %dma_start3A_77 = tpu.memref_slice %arg2[%dma_start3A_75, %dma_start3A_76] : memref<16384x128xf32, #tpu.memory_space<hbm>> -> memref<16384x128xf32, #tpu.memory_space<hbm>>
      tpu.enqueue_indirect_dma source(%dma_start3A_77 : memref<16384x128xf32, #tpu.memory_space<hbm>>) target(%dma_start3A_71 : memref<128x128xf32, #tpu.memory_space<vmem>>) offsets(%dma_start3A_74 : memref<128xi32, #tpu.memory_space<vmem>>) semaphore(%arg14 : memref<!tpu.dma_semaphore, #tpu.memory_space<semaphore_mem>>)
      %dma_wait3A = arith.constant 0 : i32
      %dma_wait3A_78 = arith.constant 0 : i32
      %dma_wait3A_79 = tpu.memref_slice %arg9[%dma_wait3A, %dma_wait3A_78] : memref<640x128xf32, #tpu.memory_space<vmem>> -> memref<128x128xf32, #tpu.memory_space<vmem>>
      %dma_wait3A_80 = arith.constant 0 : i32
      %dma_wait3A_81 = tpu.memref_slice %arg8[%add3A_17, %dma_wait3A_80] : memref<80x128xi32, #tpu.memory_space<vmem>> -> memref<1x128xi32, #tpu.memory_space<vmem>>
      %dma_wait3A_82 = tpu.memref_squeeze %dma_wait3A_81 : memref<1x128xi32, #tpu.memory_space<vmem>> -> memref<128xi32, #tpu.memory_space<vmem>>
      %dma_wait3A_83 = arith.constant 0 : i32
      %dma_wait3A_84 = arith.constant 0 : i32
      %dma_wait3A_85 = tpu.memref_slice %arg2[%dma_wait3A_83, %dma_wait3A_84] : memref<16384x128xf32, #tpu.memory_space<hbm>> -> memref<16384x128xf32, #tpu.memory_space<hbm>>
      tpu.wait_indirect_dma semaphore(%arg14 : memref<!tpu.dma_semaphore, #tpu.memory_space<semaphore_mem>>) src(%dma_wait3A_85 : memref<16384x128xf32, #tpu.memory_space<hbm>>) dst(%dma_wait3A_79 : memref<128x128xf32, #tpu.memory_space<vmem>>)
      %dma_wait3A_86 = arith.constant 128 : i32
      %dma_wait3A_87 = arith.constant 0 : i32
      %dma_wait3A_88 = tpu.memref_slice %arg9[%dma_wait3A_86, %dma_wait3A_87] : memref<640x128xf32, #tpu.memory_space<vmem>> -> memref<128x128xf32, #tpu.memory_space<vmem>>
      %dma_wait3A_89 = arith.constant 0 : i32
      %dma_wait3A_90 = tpu.memref_slice %arg8[%add3A_29, %dma_wait3A_89] : memref<80x128xi32, #tpu.memory_space<vmem>> -> memref<1x128xi32, #tpu.memory_space<vmem>>
      %dma_wait3A_91 = tpu.memref_squeeze %dma_wait3A_90 : memref<1x128xi32, #tpu.memory_space<vmem>> -> memref<128xi32, #tpu.memory_space<vmem>>
      %dma_wait3A_92 = arith.constant 0 : i32
      %dma_wait3A_93 = arith.constant 0 : i32
      %dma_wait3A_94 = tpu.memref_slice %arg2[%dma_wait3A_92, %dma_wait3A_93] : memref<16384x128xf32, #tpu.memory_space<hbm>> -> memref<16384x128xf32, #tpu.memory_space<hbm>>
      tpu.wait_indirect_dma semaphore(%arg14 : memref<!tpu.dma_semaphore, #tpu.memory_space<semaphore_mem>>) src(%dma_wait3A_94 : memref<16384x128xf32, #tpu.memory_space<hbm>>) dst(%dma_wait3A_88 : memref<128x128xf32, #tpu.memory_space<vmem>>)
      %dma_wait3A_95 = arith.constant 256 : i32
      %dma_wait3A_96 = arith.constant 0 : i32
      %dma_wait3A_97 = tpu.memref_slice %arg9[%dma_wait3A_95, %dma_wait3A_96] : memref<640x128xf32, #tpu.memory_space<vmem>> -> memref<128x128xf32, #tpu.memory_space<vmem>>
      %dma_wait3A_98 = arith.constant 0 : i32
      %dma_wait3A_99 = tpu.memref_slice %arg8[%add3A_42, %dma_wait3A_98] : memref<80x128xi32, #tpu.memory_space<vmem>> -> memref<1x128xi32, #tpu.memory_space<vmem>>
      %dma_wait3A_100 = tpu.memref_squeeze %dma_wait3A_99 : memref<1x128xi32, #tpu.memory_space<vmem>> -> memref<128xi32, #tpu.memory_space<vmem>>
      %dma_wait3A_101 = arith.constant 0 : i32
      %dma_wait3A_102 = arith.constant 0 : i32
      %dma_wait3A_103 = tpu.memref_slice %arg2[%dma_wait3A_101, %dma_wait3A_102] : memref<16384x128xf32, #tpu.memory_space<hbm>> -> memref<16384x128xf32, #tpu.memory_space<hbm>>
      tpu.wait_indirect_dma semaphore(%arg14 : memref<!tpu.dma_semaphore, #tpu.memory_space<semaphore_mem>>) src(%dma_wait3A_103 : memref<16384x128xf32, #tpu.memory_space<hbm>>) dst(%dma_wait3A_97 : memref<128x128xf32, #tpu.memory_space<vmem>>)
      %dma_wait3A_104 = arith.constant 384 : i32
      %dma_wait3A_105 = arith.constant 0 : i32
      %dma_wait3A_106 = tpu.memref_slice %arg9[%dma_wait3A_104, %dma_wait3A_105] : memref<640x128xf32, #tpu.memory_space<vmem>> -> memref<128x128xf32, #tpu.memory_space<vmem>>
      %dma_wait3A_107 = arith.constant 0 : i32
      %dma_wait3A_108 = tpu.memref_slice %arg8[%add3A_55, %dma_wait3A_107] : memref<80x128xi32, #tpu.memory_space<vmem>> -> memref<1x128xi32, #tpu.memory_space<vmem>>
      %dma_wait3A_109 = tpu.memref_squeeze %dma_wait3A_108 : memref<1x128xi32, #tpu.memory_space<vmem>> -> memref<128xi32, #tpu.memory_space<vmem>>
      %dma_wait3A_110 = arith.constant 0 : i32
      %dma_wait3A_111 = arith.constant 0 : i32
      %dma_wait3A_112 = tpu.memref_slice %arg2[%dma_wait3A_110, %dma_wait3A_111] : memref<16384x128xf32, #tpu.memory_space<hbm>> -> memref<16384x128xf32, #tpu.memory_space<hbm>>
      tpu.wait_indirect_dma semaphore(%arg14 : memref<!tpu.dma_semaphore, #tpu.memory_space<semaphore_mem>>) src(%dma_wait3A_112 : memref<16384x128xf32, #tpu.memory_space<hbm>>) dst(%dma_wait3A_106 : memref<128x128xf32, #tpu.memory_space<vmem>>)
      %dma_wait3A_113 = arith.constant 512 : i32
      %dma_wait3A_114 = arith.constant 0 : i32
      %dma_wait3A_115 = tpu.memref_slice %arg9[%dma_wait3A_113, %dma_wait3A_114] : memref<640x128xf32, #tpu.memory_space<vmem>> -> memref<128x128xf32, #tpu.memory_space<vmem>>
      %dma_wait3A_116 = arith.constant 0 : i32
      %dma_wait3A_117 = tpu.memref_slice %arg8[%add3A_68, %dma_wait3A_116] : memref<80x128xi32, #tpu.memory_space<vmem>> -> memref<1x128xi32, #tpu.memory_space<vmem>>
      %dma_wait3A_118 = tpu.memref_squeeze %dma_wait3A_117 : memref<1x128xi32, #tpu.memory_space<vmem>> -> memref<128xi32, #tpu.memory_space<vmem>>
      %dma_wait3A_119 = arith.constant 0 : i32
      %dma_wait3A_120 = arith.constant 0 : i32
      %dma_wait3A_121 = tpu.memref_slice %arg2[%dma_wait3A_119, %dma_wait3A_120] : memref<16384x128xf32, #tpu.memory_space<hbm>> -> memref<16384x128xf32, #tpu.memory_space<hbm>>
      tpu.wait_indirect_dma semaphore(%arg14 : memref<!tpu.dma_semaphore, #tpu.memory_space<semaphore_mem>>) src(%dma_wait3A_121 : memref<16384x128xf32, #tpu.memory_space<hbm>>) dst(%dma_wait3A_115 : memref<128x128xf32, #tpu.memory_space<vmem>>)
      %scan3A_122 = arith.constant 0 : i32
      %scan3A_123 = arith.constant 0 : i32
      %scan3A_124 = arith.constant 32 : i32
      %scan3A_125 = arith.addi %scan3A_123, %scan3A_124 : i32
      %scan3A_126 = arith.constant 1 : i32
      scf.for %scan3A_128 = %scan3A_123 to %scan3A_125 step %scan3A_126  : i32 {
        %mul3A_129 = arith.constant 20 : i32
        %mul3A_130 = arith.muli %scan3A_128, %mul3A_129 : i32
        %get3A = arith.index_cast %mul3A_130 : i32 to index
        %get3A_131 = arith.constant 0 : index
        %get3A_132 = tpu.vector_load %arg9[%get3A, %get3A_131] {strides = array<i32>} : memref<640x128xf32, #tpu.memory_space<vmem>>, vector<1x16xf32>,
        %get3A_133 = vector.shape_cast %get3A_132 : vector<1x16xf32> to vector<16xf32>
        %mul3A_134 = arith.mulf %get3A_133, %get3A_133 : vector<16xf32>
        %mul3A_135 = arith.constant 20 : i32
        %mul3A_136 = arith.muli %scan3A_128, %mul3A_135 : i32
        %add3A_137 = arith.constant 1 : i32
        %add3A_138 = arith.addi %mul3A_136, %add3A_137 : i32
        %get3A_139 = arith.index_cast %add3A_138 : i32 to index
        %get3A_140 = arith.constant 0 : index
        %get3A_141 = tpu.vector_load %arg9[%get3A_139, %get3A_140] {strides = array<i32>} : memref<640x128xf32, #tpu.memory_space<vmem>>, vector<1x16xf32>,
        %get3A_142 = vector.shape_cast %get3A_141 : vector<1x16xf32> to vector<16xf32>
        %add3A_143 = arith.addf %get3A_133, %get3A_142 : vector<16xf32>
        %mul3A_144 = arith.mulf %get3A_142, %get3A_142 : vector<16xf32>
        %add3A_145 = arith.addf %mul3A_134, %mul3A_144 : vector<16xf32>
        %max3A = arith.maximumf %get3A_133, %get3A_142 : vector<16xf32>
        %min3A = arith.minimumf %get3A_133, %get3A_142 : vector<16xf32>
        %mul3A_146 = arith.constant 20 : i32
        %mul3A_147 = arith.muli %scan3A_128, %mul3A_146 : i32
        %add3A_148 = arith.constant 2 : i32
        %add3A_149 = arith.addi %mul3A_147, %add3A_148 : i32
        %get3A_150 = arith.index_cast %add3A_149 : i32 to index
        %get3A_151 = arith.constant 0 : index
        %get3A_152 = tpu.vector_load %arg9[%get3A_150, %get3A_151] {strides = array<i32>} : memref<640x128xf32, #tpu.memory_space<vmem>>, vector<1x16xf32>,
        %get3A_153 = vector.shape_cast %get3A_152 : vector<1x16xf32> to vector<16xf32>
        %add3A_154 = arith.addf %add3A_143, %get3A_153 : vector<16xf32>
        %mul3A_155 = arith.mulf %get3A_153, %get3A_153 : vector<16xf32>
        %add3A_156 = arith.addf %add3A_145, %mul3A_155 : vector<16xf32>
        %max3A_157 = arith.maximumf %max3A, %get3A_153 : vector<16xf32>
        %min3A_158 = arith.minimumf %min3A, %get3A_153 : vector<16xf32>
        %mul3A_159 = arith.constant 20 : i32
        %mul3A_160 = arith.muli %scan3A_128, %mul3A_159 : i32
        %add3A_161 = arith.constant 3 : i32
        %add3A_162 = arith.addi %mul3A_160, %add3A_161 : i32
        %get3A_163 = arith.index_cast %add3A_162 : i32 to index
        %get3A_164 = arith.constant 0 : index
        %get3A_165 = tpu.vector_load %arg9[%get3A_163, %get3A_164] {strides = array<i32>} : memref<640x128xf32, #tpu.memory_space<vmem>>, vector<1x16xf32>,
        %get3A_166 = vector.shape_cast %get3A_165 : vector<1x16xf32> to vector<16xf32>
        %add3A_167 = arith.addf %add3A_154, %get3A_166 : vector<16xf32>
        %mul3A_168 = arith.mulf %get3A_166, %get3A_166 : vector<16xf32>
        %add3A_169 = arith.addf %add3A_156, %mul3A_168 : vector<16xf32>
        %max3A_170 = arith.maximumf %max3A_157, %get3A_166 : vector<16xf32>
        %min3A_171 = arith.minimumf %min3A_158, %get3A_166 : vector<16xf32>
        %mul3A_172 = arith.constant 20 : i32
        %mul3A_173 = arith.muli %scan3A_128, %mul3A_172 : i32
        %add3A_174 = arith.constant 4 : i32
        %add3A_175 = arith.addi %mul3A_173, %add3A_174 : i32
        %get3A_176 = arith.index_cast %add3A_175 : i32 to index
        %get3A_177 = arith.constant 0 : index
        %get3A_178 = tpu.vector_load %arg9[%get3A_176, %get3A_177] {strides = array<i32>} : memref<640x128xf32, #tpu.memory_space<vmem>>, vector<1x16xf32>,
        %get3A_179 = vector.shape_cast %get3A_178 : vector<1x16xf32> to vector<16xf32>
        %add3A_180 = arith.addf %add3A_167, %get3A_179 : vector<16xf32>
        %mul3A_181 = arith.mulf %get3A_179, %get3A_179 : vector<16xf32>
        %add3A_182 = arith.addf %add3A_169, %mul3A_181 : vector<16xf32>
        %max3A_183 = arith.maximumf %max3A_170, %get3A_179 : vector<16xf32>
        %min3A_184 = arith.minimumf %min3A_171, %get3A_179 : vector<16xf32>
        %mul3A_185 = arith.constant 20 : i32
        %mul3A_186 = arith.muli %scan3A_128, %mul3A_185 : i32
        %add3A_187 = arith.constant 5 : i32
        %add3A_188 = arith.addi %mul3A_186, %add3A_187 : i32
        %get3A_189 = arith.index_cast %add3A_188 : i32 to index
        %get3A_190 = arith.constant 0 : index
        %get3A_191 = tpu.vector_load %arg9[%get3A_189, %get3A_190] {strides = array<i32>} : memref<640x128xf32, #tpu.memory_space<vmem>>, vector<1x16xf32>,
        %get3A_192 = vector.shape_cast %get3A_191 : vector<1x16xf32> to vector<16xf32>
        %add3A_193 = arith.addf %add3A_180, %get3A_192 : vector<16xf32>
        %mul3A_194 = arith.mulf %get3A_192, %get3A_192 : vector<16xf32>
        %add3A_195 = arith.addf %add3A_182, %mul3A_194 : vector<16xf32>
        %max3A_196 = arith.maximumf %max3A_183, %get3A_192 : vector<16xf32>
        %min3A_197 = arith.minimumf %min3A_184, %get3A_192 : vector<16xf32>
        %mul3A_198 = arith.constant 20 : i32
        %mul3A_199 = arith.muli %scan3A_128, %mul3A_198 : i32
        %add3A_200 = arith.constant 6 : i32
        %add3A_201 = arith.addi %mul3A_199, %add3A_200 : i32
        %get3A_202 = arith.index_cast %add3A_201 : i32 to index
        %get3A_203 = arith.constant 0 : index
        %get3A_204 = tpu.vector_load %arg9[%get3A_202, %get3A_203] {strides = array<i32>} : memref<640x128xf32, #tpu.memory_space<vmem>>, vector<1x16xf32>,
        %get3A_205 = vector.shape_cast %get3A_204 : vector<1x16xf32> to vector<16xf32>
        %add3A_206 = arith.addf %add3A_193, %get3A_205 : vector<16xf32>
        %mul3A_207 = arith.mulf %get3A_205, %get3A_205 : vector<16xf32>
        %add3A_208 = arith.addf %add3A_195, %mul3A_207 : vector<16xf32>
        %max3A_209 = arith.maximumf %max3A_196, %get3A_205 : vector<16xf32>
        %min3A_210 = arith.minimumf %min3A_197, %get3A_205 : vector<16xf32>
        %mul3A_211 = arith.constant 20 : i32
        %mul3A_212 = arith.muli %scan3A_128, %mul3A_211 : i32
        %add3A_213 = arith.constant 7 : i32
        %add3A_214 = arith.addi %mul3A_212, %add3A_213 : i32
        %get3A_215 = arith.index_cast %add3A_214 : i32 to index
        %get3A_216 = arith.constant 0 : index
        %get3A_217 = tpu.vector_load %arg9[%get3A_215, %get3A_216] {strides = array<i32>} : memref<640x128xf32, #tpu.memory_space<vmem>>, vector<1x16xf32>,
        %get3A_218 = vector.shape_cast %get3A_217 : vector<1x16xf32> to vector<16xf32>
        %add3A_219 = arith.addf %add3A_206, %get3A_218 : vector<16xf32>
        %mul3A_220 = arith.mulf %get3A_218, %get3A_218 : vector<16xf32>
        %add3A_221 = arith.addf %add3A_208, %mul3A_220 : vector<16xf32>
        %max3A_222 = arith.maximumf %max3A_209, %get3A_218 : vector<16xf32>
        %min3A_223 = arith.minimumf %min3A_210, %get3A_218 : vector<16xf32>
        %mul3A_224 = arith.constant 20 : i32
        %mul3A_225 = arith.muli %scan3A_128, %mul3A_224 : i32
        %add3A_226 = arith.constant 8 : i32
        %add3A_227 = arith.addi %mul3A_225, %add3A_226 : i32
        %get3A_228 = arith.index_cast %add3A_227 : i32 to index
        %get3A_229 = arith.constant 0 : index
        %get3A_230 = tpu.vector_load %arg9[%get3A_228, %get3A_229] {strides = array<i32>} : memref<640x128xf32, #tpu.memory_space<vmem>>, vector<1x16xf32>,
        %get3A_231 = vector.shape_cast %get3A_230 : vector<1x16xf32> to vector<16xf32>
        %add3A_232 = arith.addf %add3A_219, %get3A_231 : vector<16xf32>
        %mul3A_233 = arith.mulf %get3A_231, %get3A_231 : vector<16xf32>
        %add3A_234 = arith.addf %add3A_221, %mul3A_233 : vector<16xf32>
        %max3A_235 = arith.maximumf %max3A_222, %get3A_231 : vector<16xf32>
        %min3A_236 = arith.minimumf %min3A_223, %get3A_231 : vector<16xf32>
        %mul3A_237 = arith.constant 20 : i32
        %mul3A_238 = arith.muli %scan3A_128, %mul3A_237 : i32
        %add3A_239 = arith.constant 9 : i32
        %add3A_240 = arith.addi %mul3A_238, %add3A_239 : i32
        %get3A_241 = arith.index_cast %add3A_240 : i32 to index
        %get3A_242 = arith.constant 0 : index
        %get3A_243 = tpu.vector_load %arg9[%get3A_241, %get3A_242] {strides = array<i32>} : memref<640x128xf32, #tpu.memory_space<vmem>>, vector<1x16xf32>,
        %get3A_244 = vector.shape_cast %get3A_243 : vector<1x16xf32> to vector<16xf32>
        %add3A_245 = arith.addf %add3A_232, %get3A_244 : vector<16xf32>
        %mul3A_246 = arith.mulf %get3A_244, %get3A_244 : vector<16xf32>
        %add3A_247 = arith.addf %add3A_234, %mul3A_246 : vector<16xf32>
        %max3A_248 = arith.maximumf %max3A_235, %get3A_244 : vector<16xf32>
        %min3A_249 = arith.minimumf %min3A_236, %get3A_244 : vector<16xf32>
        %mul3A_250 = arith.constant 20 : i32
        %mul3A_251 = arith.muli %scan3A_128, %mul3A_250 : i32
        %add3A_252 = arith.constant 10 : i32
        %add3A_253 = arith.addi %mul3A_251, %add3A_252 : i32
        %get3A_254 = arith.index_cast %add3A_253 : i32 to index
        %get3A_255 = arith.constant 0 : index
        %get3A_256 = tpu.vector_load %arg9[%get3A_254, %get3A_255] {strides = array<i32>} : memref<640x128xf32, #tpu.memory_space<vmem>>, vector<1x16xf32>,
        %get3A_257 = vector.shape_cast %get3A_256 : vector<1x16xf32> to vector<16xf32>
        %add3A_258 = arith.addf %add3A_245, %get3A_257 : vector<16xf32>
        %mul3A_259 = arith.mulf %get3A_257, %get3A_257 : vector<16xf32>
        %add3A_260 = arith.addf %add3A_247, %mul3A_259 : vector<16xf32>
        %max3A_261 = arith.maximumf %max3A_248, %get3A_257 : vector<16xf32>
        %min3A_262 = arith.minimumf %min3A_249, %get3A_257 : vector<16xf32>
        %mul3A_263 = arith.constant 20 : i32
        %mul3A_264 = arith.muli %scan3A_128, %mul3A_263 : i32
        %add3A_265 = arith.constant 11 : i32
        %add3A_266 = arith.addi %mul3A_264, %add3A_265 : i32
        %get3A_267 = arith.index_cast %add3A_266 : i32 to index
        %get3A_268 = arith.constant 0 : index
        %get3A_269 = tpu.vector_load %arg9[%get3A_267, %get3A_268] {strides = array<i32>} : memref<640x128xf32, #tpu.memory_space<vmem>>, vector<1x16xf32>,
        %get3A_270 = vector.shape_cast %get3A_269 : vector<1x16xf32> to vector<16xf32>
        %add3A_271 = arith.addf %add3A_258, %get3A_270 : vector<16xf32>
        %mul3A_272 = arith.mulf %get3A_270, %get3A_270 : vector<16xf32>
        %add3A_273 = arith.addf %add3A_260, %mul3A_272 : vector<16xf32>
        %max3A_274 = arith.maximumf %max3A_261, %get3A_270 : vector<16xf32>
        %min3A_275 = arith.minimumf %min3A_262, %get3A_270 : vector<16xf32>
        %mul3A_276 = arith.constant 20 : i32
        %mul3A_277 = arith.muli %scan3A_128, %mul3A_276 : i32
        %add3A_278 = arith.constant 12 : i32
        %add3A_279 = arith.addi %mul3A_277, %add3A_278 : i32
        %get3A_280 = arith.index_cast %add3A_279 : i32 to index
        %get3A_281 = arith.constant 0 : index
        %get3A_282 = tpu.vector_load %arg9[%get3A_280, %get3A_281] {strides = array<i32>} : memref<640x128xf32, #tpu.memory_space<vmem>>, vector<1x16xf32>,
        %get3A_283 = vector.shape_cast %get3A_282 : vector<1x16xf32> to vector<16xf32>
        %add3A_284 = arith.addf %add3A_271, %get3A_283 : vector<16xf32>
        %mul3A_285 = arith.mulf %get3A_283, %get3A_283 : vector<16xf32>
        %add3A_286 = arith.addf %add3A_273, %mul3A_285 : vector<16xf32>
        %max3A_287 = arith.maximumf %max3A_274, %get3A_283 : vector<16xf32>
        %min3A_288 = arith.minimumf %min3A_275, %get3A_283 : vector<16xf32>
        %mul3A_289 = arith.constant 20 : i32
        %mul3A_290 = arith.muli %scan3A_128, %mul3A_289 : i32
        %add3A_291 = arith.constant 13 : i32
        %add3A_292 = arith.addi %mul3A_290, %add3A_291 : i32
        %get3A_293 = arith.index_cast %add3A_292 : i32 to index
        %get3A_294 = arith.constant 0 : index
        %get3A_295 = tpu.vector_load %arg9[%get3A_293, %get3A_294] {strides = array<i32>} : memref<640x128xf32, #tpu.memory_space<vmem>>, vector<1x16xf32>,
        %get3A_296 = vector.shape_cast %get3A_295 : vector<1x16xf32> to vector<16xf32>
        %add3A_297 = arith.addf %add3A_284, %get3A_296 : vector<16xf32>
        %mul3A_298 = arith.mulf %get3A_296, %get3A_296 : vector<16xf32>
        %add3A_299 = arith.addf %add3A_286, %mul3A_298 : vector<16xf32>
        %max3A_300 = arith.maximumf %max3A_287, %get3A_296 : vector<16xf32>
        %min3A_301 = arith.minimumf %min3A_288, %get3A_296 : vector<16xf32>
        %mul3A_302 = arith.constant 20 : i32
        %mul3A_303 = arith.muli %scan3A_128, %mul3A_302 : i32
        %add3A_304 = arith.constant 14 : i32
        %add3A_305 = arith.addi %mul3A_303, %add3A_304 : i32
        %get3A_306 = arith.index_cast %add3A_305 : i32 to index
        %get3A_307 = arith.constant 0 : index
        %get3A_308 = tpu.vector_load %arg9[%get3A_306, %get3A_307] {strides = array<i32>} : memref<640x128xf32, #tpu.memory_space<vmem>>, vector<1x16xf32>,
        %get3A_309 = vector.shape_cast %get3A_308 : vector<1x16xf32> to vector<16xf32>
        %add3A_310 = arith.addf %add3A_297, %get3A_309 : vector<16xf32>
        %mul3A_311 = arith.mulf %get3A_309, %get3A_309 : vector<16xf32>
        %add3A_312 = arith.addf %add3A_299, %mul3A_311 : vector<16xf32>
        %max3A_313 = arith.maximumf %max3A_300, %get3A_309 : vector<16xf32>
        %min3A_314 = arith.minimumf %min3A_301, %get3A_309 : vector<16xf32>
        %mul3A_315 = arith.constant 20 : i32
        %mul3A_316 = arith.muli %scan3A_128, %mul3A_315 : i32
        %add3A_317 = arith.constant 15 : i32
        %add3A_318 = arith.addi %mul3A_316, %add3A_317 : i32
        %get3A_319 = arith.index_cast %add3A_318 : i32 to index
        %get3A_320 = arith.constant 0 : index
        %get3A_321 = tpu.vector_load %arg9[%get3A_319, %get3A_320] {strides = array<i32>} : memref<640x128xf32, #tpu.memory_space<vmem>>, vector<1x16xf32>,
        %get3A_322 = vector.shape_cast %get3A_321 : vector<1x16xf32> to vector<16xf32>
        %add3A_323 = arith.addf %add3A_310, %get3A_322 : vector<16xf32>
        %mul3A_324 = arith.mulf %get3A_322, %get3A_322 : vector<16xf32>
        %add3A_325 = arith.addf %add3A_312, %mul3A_324 : vector<16xf32>
        %max3A_326 = arith.maximumf %max3A_313, %get3A_322 : vector<16xf32>
        %min3A_327 = arith.minimumf %min3A_314, %get3A_322 : vector<16xf32>
        %mul3A_328 = arith.constant 20 : i32
        %mul3A_329 = arith.muli %scan3A_128, %mul3A_328 : i32
        %add3A_330 = arith.constant 16 : i32
        %add3A_331 = arith.addi %mul3A_329, %add3A_330 : i32
        %get3A_332 = arith.index_cast %add3A_331 : i32 to index
        %get3A_333 = arith.constant 0 : index
        %get3A_334 = tpu.vector_load %arg9[%get3A_332, %get3A_333] {strides = array<i32>} : memref<640x128xf32, #tpu.memory_space<vmem>>, vector<1x16xf32>,
        %get3A_335 = vector.shape_cast %get3A_334 : vector<1x16xf32> to vector<16xf32>
        %add3A_336 = arith.addf %add3A_323, %get3A_335 : vector<16xf32>
        %mul3A_337 = arith.mulf %get3A_335, %get3A_335 : vector<16xf32>
        %add3A_338 = arith.addf %add3A_325, %mul3A_337 : vector<16xf32>
        %max3A_339 = arith.maximumf %max3A_326, %get3A_335 : vector<16xf32>
        %min3A_340 = arith.minimumf %min3A_327, %get3A_335 : vector<16xf32>
        %mul3A_341 = arith.constant 20 : i32
        %mul3A_342 = arith.muli %scan3A_128, %mul3A_341 : i32
        %add3A_343 = arith.constant 17 : i32
        %add3A_344 = arith.addi %mul3A_342, %add3A_343 : i32
        %get3A_345 = arith.index_cast %add3A_344 : i32 to index
        %get3A_346 = arith.constant 0 : index
        %get3A_347 = tpu.vector_load %arg9[%get3A_345, %get3A_346] {strides = array<i32>} : memref<640x128xf32, #tpu.memory_space<vmem>>, vector<1x16xf32>,
        %get3A_348 = vector.shape_cast %get3A_347 : vector<1x16xf32> to vector<16xf32>
        %add3A_349 = arith.addf %add3A_336, %get3A_348 : vector<16xf32>
        %mul3A_350 = arith.mulf %get3A_348, %get3A_348 : vector<16xf32>
        %add3A_351 = arith.addf %add3A_338, %mul3A_350 : vector<16xf32>
        %max3A_352 = arith.maximumf %max3A_339, %get3A_348 : vector<16xf32>
        %min3A_353 = arith.minimumf %min3A_340, %get3A_348 : vector<16xf32>
        %mul3A_354 = arith.constant 20 : i32
        %mul3A_355 = arith.muli %scan3A_128, %mul3A_354 : i32
        %add3A_356 = arith.constant 18 : i32
        %add3A_357 = arith.addi %mul3A_355, %add3A_356 : i32
        %get3A_358 = arith.index_cast %add3A_357 : i32 to index
        %get3A_359 = arith.constant 0 : index
        %get3A_360 = tpu.vector_load %arg9[%get3A_358, %get3A_359] {strides = array<i32>} : memref<640x128xf32, #tpu.memory_space<vmem>>, vector<1x16xf32>,
        %get3A_361 = vector.shape_cast %get3A_360 : vector<1x16xf32> to vector<16xf32>
        %add3A_362 = arith.addf %add3A_349, %get3A_361 : vector<16xf32>
        %mul3A_363 = arith.mulf %get3A_361, %get3A_361 : vector<16xf32>
        %add3A_364 = arith.addf %add3A_351, %mul3A_363 : vector<16xf32>
        %max3A_365 = arith.maximumf %max3A_352, %get3A_361 : vector<16xf32>
        %min3A_366 = arith.minimumf %min3A_353, %get3A_361 : vector<16xf32>
        %mul3A_367 = arith.constant 20 : i32
        %mul3A_368 = arith.muli %scan3A_128, %mul3A_367 : i32
        %add3A_369 = arith.constant 19 : i32
        %add3A_370 = arith.addi %mul3A_368, %add3A_369 : i32
        %get3A_371 = arith.index_cast %add3A_370 : i32 to index
        %get3A_372 = arith.constant 0 : index
        %get3A_373 = tpu.vector_load %arg9[%get3A_371, %get3A_372] {strides = array<i32>} : memref<640x128xf32, #tpu.memory_space<vmem>>, vector<1x16xf32>,
        %get3A_374 = vector.shape_cast %get3A_373 : vector<1x16xf32> to vector<16xf32>
        %add3A_375 = arith.addf %add3A_362, %get3A_374 : vector<16xf32>
        %mul3A_376 = arith.mulf %get3A_374, %get3A_374 : vector<16xf32>
        %add3A_377 = arith.addf %add3A_364, %mul3A_376 : vector<16xf32>
        %max3A_378 = arith.maximumf %max3A_365, %get3A_374 : vector<16xf32>
        %min3A_379 = arith.minimumf %min3A_366, %get3A_374 : vector<16xf32>
        %swap3A = arith.index_cast %scan3A_128 : i32 to index
        %swap3A_380 = arith.constant 0 : index
        %swap3A_381 = tpu.vector_load %arg10[%swap3A, %swap3A_380] {strides = array<i32>} : memref<32x64xf32, #tpu.memory_space<vmem>>, vector<1x16xf32>,
        %swap3A_382 = vector.shape_cast %swap3A_381 : vector<1x16xf32> to vector<16xf32>
        %swap3A_383 = vector.shape_cast %add3A_375 : vector<16xf32> to vector<1x16xf32>
        tpu.vector_store %arg10[%swap3A, %swap3A_380], %swap3A_383 {strides = array<i32>} : memref<32x64xf32, #tpu.memory_space<vmem>>, vector<1x16xf32>,
        %swap3A_384 = arith.index_cast %scan3A_128 : i32 to index
        %swap3A_385 = arith.constant 0 : index
        %swap3A_386 = tpu.vector_load %arg11[%swap3A_384, %swap3A_385] {strides = array<i32>} : memref<32x64xf32, #tpu.memory_space<vmem>>, vector<1x16xf32>,
        %swap3A_387 = vector.shape_cast %swap3A_386 : vector<1x16xf32> to vector<16xf32>
        %swap3A_388 = vector.shape_cast %add3A_377 : vector<16xf32> to vector<1x16xf32>
        tpu.vector_store %arg11[%swap3A_384, %swap3A_385], %swap3A_388 {strides = array<i32>} : memref<32x64xf32, #tpu.memory_space<vmem>>, vector<1x16xf32>,
        %swap3A_389 = arith.index_cast %scan3A_128 : i32 to index
        %swap3A_390 = arith.constant 0 : index
        %swap3A_391 = tpu.vector_load %arg12[%swap3A_389, %swap3A_390] {strides = array<i32>} : memref<32x64xf32, #tpu.memory_space<vmem>>, vector<1x16xf32>,
        %swap3A_392 = vector.shape_cast %swap3A_391 : vector<1x16xf32> to vector<16xf32>
        %swap3A_393 = vector.shape_cast %max3A_378 : vector<16xf32> to vector<1x16xf32>
        tpu.vector_store %arg12[%swap3A_389, %swap3A_390], %swap3A_393 {strides = array<i32>} : memref<32x64xf32, #tpu.memory_space<vmem>>, vector<1x16xf32>,
        %swap3A_394 = arith.index_cast %scan3A_128 : i32 to index
        %swap3A_395 = arith.constant 0 : index
        %swap3A_396 = tpu.vector_load %arg13[%swap3A_394, %swap3A_395] {strides = array<i32>} : memref<32x64xf32, #tpu.memory_space<vmem>>, vector<1x16xf32>,
        %swap3A_397 = vector.shape_cast %swap3A_396 : vector<1x16xf32> to vector<16xf32>
        %swap3A_398 = vector.shape_cast %min3A_379 : vector<16xf32> to vector<1x16xf32>
        tpu.vector_store %arg13[%swap3A_394, %swap3A_395], %swap3A_398 {strides = array<i32>} : memref<32x64xf32, #tpu.memory_space<vmem>>, vector<1x16xf32>,
        %mul3A_399 = arith.constant 20 : i32
        %mul3A_400 = arith.muli %scan3A_128, %mul3A_399 : i32
        %get3A_401 = arith.index_cast %mul3A_400 : i32 to index
        %get3A_402 = arith.constant 16 : index
        %get3A_403 = tpu.vector_load %arg9[%get3A_401, %get3A_402] {strides = array<i32>} : memref<640x128xf32, #tpu.memory_space<vmem>>, vector<1x16xf32>,
        %get3A_404 = vector.shape_cast %get3A_403 : vector<1x16xf32> to vector<16xf32>
        %mul3A_405 = arith.mulf %get3A_404, %get3A_404 : vector<16xf32>
        %mul3A_406 = arith.constant 20 : i32
        %mul3A_407 = arith.muli %scan3A_128, %mul3A_406 : i32
        %add3A_408 = arith.constant 1 : i32
        %add3A_409 = arith.addi %mul3A_407, %add3A_408 : i32
        %get3A_410 = arith.index_cast %add3A_409 : i32 to index
        %get3A_411 = arith.constant 16 : index
        %get3A_412 = tpu.vector_load %arg9[%get3A_410, %get3A_411] {strides = array<i32>} : memref<640x128xf32, #tpu.memory_space<vmem>>, vector<1x16xf32>,
        %get3A_413 = vector.shape_cast %get3A_412 : vector<1x16xf32> to vector<16xf32>
        %add3A_414 = arith.addf %get3A_404, %get3A_413 : vector<16xf32>
        %mul3A_415 = arith.mulf %get3A_413, %get3A_413 : vector<16xf32>
        %add3A_416 = arith.addf %mul3A_405, %mul3A_415 : vector<16xf32>
        %max3A_417 = arith.maximumf %get3A_404, %get3A_413 : vector<16xf32>
        %min3A_418 = arith.minimumf %get3A_404, %get3A_413 : vector<16xf32>
        %mul3A_419 = arith.constant 20 : i32
        %mul3A_420 = arith.muli %scan3A_128, %mul3A_419 : i32
        %add3A_421 = arith.constant 2 : i32
        %add3A_422 = arith.addi %mul3A_420, %add3A_421 : i32
        %get3A_423 = arith.index_cast %add3A_422 : i32 to index
        %get3A_424 = arith.constant 16 : index
        %get3A_425 = tpu.vector_load %arg9[%get3A_423, %get3A_424] {strides = array<i32>} : memref<640x128xf32, #tpu.memory_space<vmem>>, vector<1x16xf32>,
        %get3A_426 = vector.shape_cast %get3A_425 : vector<1x16xf32> to vector<16xf32>
        %add3A_427 = arith.addf %add3A_414, %get3A_426 : vector<16xf32>
        %mul3A_428 = arith.mulf %get3A_426, %get3A_426 : vector<16xf32>
        %add3A_429 = arith.addf %add3A_416, %mul3A_428 : vector<16xf32>
        %max3A_430 = arith.maximumf %max3A_417, %get3A_426 : vector<16xf32>
        %min3A_431 = arith.minimumf %min3A_418, %get3A_426 : vector<16xf32>
        %mul3A_432 = arith.constant 20 : i32
        %mul3A_433 = arith.muli %scan3A_128, %mul3A_432 : i32
        %add3A_434 = arith.constant 3 : i32
        %add3A_435 = arith.addi %mul3A_433, %add3A_434 : i32
        %get3A_436 = arith.index_cast %add3A_435 : i32 to index
        %get3A_437 = arith.constant 16 : index
        %get3A_438 = tpu.vector_load %arg9[%get3A_436, %get3A_437] {strides = array<i32>} : memref<640x128xf32, #tpu.memory_space<vmem>>, vector<1x16xf32>,
        %get3A_439 = vector.shape_cast %get3A_438 : vector<1x16xf32> to vector<16xf32>
        %add3A_440 = arith.addf %add3A_427, %get3A_439 : vector<16xf32>
        %mul3A_441 = arith.mulf %get3A_439, %get3A_439 : vector<16xf32>
        %add3A_442 = arith.addf %add3A_429, %mul3A_441 : vector<16xf32>
        %max3A_443 = arith.maximumf %max3A_430, %get3A_439 : vector<16xf32>
        %min3A_444 = arith.minimumf %min3A_431, %get3A_439 : vector<16xf32>
        %mul3A_445 = arith.constant 20 : i32
        %mul3A_446 = arith.muli %scan3A_128, %mul3A_445 : i32
        %add3A_447 = arith.constant 4 : i32
        %add3A_448 = arith.addi %mul3A_446, %add3A_447 : i32
        %get3A_449 = arith.index_cast %add3A_448 : i32 to index
        %get3A_450 = arith.constant 16 : index
        %get3A_451 = tpu.vector_load %arg9[%get3A_449, %get3A_450] {strides = array<i32>} : memref<640x128xf32, #tpu.memory_space<vmem>>, vector<1x16xf32>,
        %get3A_452 = vector.shape_cast %get3A_451 : vector<1x16xf32> to vector<16xf32>
        %add3A_453 = arith.addf %add3A_440, %get3A_452 : vector<16xf32>
        %mul3A_454 = arith.mulf %get3A_452, %get3A_452 : vector<16xf32>
        %add3A_455 = arith.addf %add3A_442, %mul3A_454 : vector<16xf32>
        %max3A_456 = arith.maximumf %max3A_443, %get3A_452 : vector<16xf32>
        %min3A_457 = arith.minimumf %min3A_444, %get3A_452 : vector<16xf32>
        %mul3A_458 = arith.constant 20 : i32
        %mul3A_459 = arith.muli %scan3A_128, %mul3A_458 : i32
        %add3A_460 = arith.constant 5 : i32
        %add3A_461 = arith.addi %mul3A_459, %add3A_460 : i32
        %get3A_462 = arith.index_cast %add3A_461 : i32 to index
        %get3A_463 = arith.constant 16 : index
        %get3A_464 = tpu.vector_load %arg9[%get3A_462, %get3A_463] {strides = array<i32>} : memref<640x128xf32, #tpu.memory_space<vmem>>, vector<1x16xf32>,
        %get3A_465 = vector.shape_cast %get3A_464 : vector<1x16xf32> to vector<16xf32>
        %add3A_466 = arith.addf %add3A_453, %get3A_465 : vector<16xf32>
        %mul3A_467 = arith.mulf %get3A_465, %get3A_465 : vector<16xf32>
        %add3A_468 = arith.addf %add3A_455, %mul3A_467 : vector<16xf32>
        %max3A_469 = arith.maximumf %max3A_456, %get3A_465 : vector<16xf32>
        %min3A_470 = arith.minimumf %min3A_457, %get3A_465 : vector<16xf32>
        %mul3A_471 = arith.constant 20 : i32
        %mul3A_472 = arith.muli %scan3A_128, %mul3A_471 : i32
        %add3A_473 = arith.constant 6 : i32
        %add3A_474 = arith.addi %mul3A_472, %add3A_473 : i32
        %get3A_475 = arith.index_cast %add3A_474 : i32 to index
        %get3A_476 = arith.constant 16 : index
        %get3A_477 = tpu.vector_load %arg9[%get3A_475, %get3A_476] {strides = array<i32>} : memref<640x128xf32, #tpu.memory_space<vmem>>, vector<1x16xf32>,
        %get3A_478 = vector.shape_cast %get3A_477 : vector<1x16xf32> to vector<16xf32>
        %add3A_479 = arith.addf %add3A_466, %get3A_478 : vector<16xf32>
        %mul3A_480 = arith.mulf %get3A_478, %get3A_478 : vector<16xf32>
        %add3A_481 = arith.addf %add3A_468, %mul3A_480 : vector<16xf32>
        %max3A_482 = arith.maximumf %max3A_469, %get3A_478 : vector<16xf32>
        %min3A_483 = arith.minimumf %min3A_470, %get3A_478 : vector<16xf32>
        %mul3A_484 = arith.constant 20 : i32
        %mul3A_485 = arith.muli %scan3A_128, %mul3A_484 : i32
        %add3A_486 = arith.constant 7 : i32
        %add3A_487 = arith.addi %mul3A_485, %add3A_486 : i32
        %get3A_488 = arith.index_cast %add3A_487 : i32 to index
        %get3A_489 = arith.constant 16 : index
        %get3A_490 = tpu.vector_load %arg9[%get3A_488, %get3A_489] {strides = array<i32>} : memref<640x128xf32, #tpu.memory_space<vmem>>, vector<1x16xf32>,
        %get3A_491 = vector.shape_cast %get3A_490 : vector<1x16xf32> to vector<16xf32>
        %add3A_492 = arith.addf %add3A_479, %get3A_491 : vector<16xf32>
        %mul3A_493 = arith.mulf %get3A_491, %get3A_491 : vector<16xf32>
        %add3A_494 = arith.addf %add3A_481, %mul3A_493 : vector<16xf32>
        %max3A_495 = arith.maximumf %max3A_482, %get3A_491 : vector<16xf32>
        %min3A_496 = arith.minimumf %min3A_483, %get3A_491 : vector<16xf32>
        %mul3A_497 = arith.constant 20 : i32
        %mul3A_498 = arith.muli %scan3A_128, %mul3A_497 : i32
        %add3A_499 = arith.constant 8 : i32
        %add3A_500 = arith.addi %mul3A_498, %add3A_499 : i32
        %get3A_501 = arith.index_cast %add3A_500 : i32 to index
        %get3A_502 = arith.constant 16 : index
        %get3A_503 = tpu.vector_load %arg9[%get3A_501, %get3A_502] {strides = array<i32>} : memref<640x128xf32, #tpu.memory_space<vmem>>, vector<1x16xf32>,
        %get3A_504 = vector.shape_cast %get3A_503 : vector<1x16xf32> to vector<16xf32>
        %add3A_505 = arith.addf %add3A_492, %get3A_504 : vector<16xf32>
        %mul3A_506 = arith.mulf %get3A_504, %get3A_504 : vector<16xf32>
        %add3A_507 = arith.addf %add3A_494, %mul3A_506 : vector<16xf32>
        %max3A_508 = arith.maximumf %max3A_495, %get3A_504 : vector<16xf32>
        %min3A_509 = arith.minimumf %min3A_496, %get3A_504 : vector<16xf32>
        %mul3A_510 = arith.constant 20 : i32
        %mul3A_511 = arith.muli %scan3A_128, %mul3A_510 : i32
        %add3A_512 = arith.constant 9 : i32
        %add3A_513 = arith.addi %mul3A_511, %add3A_512 : i32
        %get3A_514 = arith.index_cast %add3A_513 : i32 to index
        %get3A_515 = arith.constant 16 : index
        %get3A_516 = tpu.vector_load %arg9[%get3A_514, %get3A_515] {strides = array<i32>} : memref<640x128xf32, #tpu.memory_space<vmem>>, vector<1x16xf32>,
        %get3A_517 = vector.shape_cast %get3A_516 : vector<1x16xf32> to vector<16xf32>
        %add3A_518 = arith.addf %add3A_505, %get3A_517 : vector<16xf32>
        %mul3A_519 = arith.mulf %get3A_517, %get3A_517 : vector<16xf32>
        %add3A_520 = arith.addf %add3A_507, %mul3A_519 : vector<16xf32>
        %max3A_521 = arith.maximumf %max3A_508, %get3A_517 : vector<16xf32>
        %min3A_522 = arith.minimumf %min3A_509, %get3A_517 : vector<16xf32>
        %mul3A_523 = arith.constant 20 : i32
        %mul3A_524 = arith.muli %scan3A_128, %mul3A_523 : i32
        %add3A_525 = arith.constant 10 : i32
        %add3A_526 = arith.addi %mul3A_524, %add3A_525 : i32
        %get3A_527 = arith.index_cast %add3A_526 : i32 to index
        %get3A_528 = arith.constant 16 : index
        %get3A_529 = tpu.vector_load %arg9[%get3A_527, %get3A_528] {strides = array<i32>} : memref<640x128xf32, #tpu.memory_space<vmem>>, vector<1x16xf32>,
        %get3A_530 = vector.shape_cast %get3A_529 : vector<1x16xf32> to vector<16xf32>
        %add3A_531 = arith.addf %add3A_518, %get3A_530 : vector<16xf32>
        %mul3A_532 = arith.mulf %get3A_530, %get3A_530 : vector<16xf32>
        %add3A_533 = arith.addf %add3A_520, %mul3A_532 : vector<16xf32>
        %max3A_534 = arith.maximumf %max3A_521, %get3A_530 : vector<16xf32>
        %min3A_535 = arith.minimumf %min3A_522, %get3A_530 : vector<16xf32>
        %mul3A_536 = arith.constant 20 : i32
        %mul3A_537 = arith.muli %scan3A_128, %mul3A_536 : i32
        %add3A_538 = arith.constant 11 : i32
        %add3A_539 = arith.addi %mul3A_537, %add3A_538 : i32
        %get3A_540 = arith.index_cast %add3A_539 : i32 to index
        %get3A_541 = arith.constant 16 : index
        %get3A_542 = tpu.vector_load %arg9[%get3A_540, %get3A_541] {strides = array<i32>} : memref<640x128xf32, #tpu.memory_space<vmem>>, vector<1x16xf32>,
        %get3A_543 = vector.shape_cast %get3A_542 : vector<1x16xf32> to vector<16xf32>
        %add3A_544 = arith.addf %add3A_531, %get3A_543 : vector<16xf32>
        %mul3A_545 = arith.mulf %get3A_543, %get3A_543 : vector<16xf32>
        %add3A_546 = arith.addf %add3A_533, %mul3A_545 : vector<16xf32>
        %max3A_547 = arith.maximumf %max3A_534, %get3A_543 : vector<16xf32>
        %min3A_548 = arith.minimumf %min3A_535, %get3A_543 : vector<16xf32>
        %mul3A_549 = arith.constant 20 : i32
        %mul3A_550 = arith.muli %scan3A_128, %mul3A_549 : i32
        %add3A_551 = arith.constant 12 : i32
        %add3A_552 = arith.addi %mul3A_550, %add3A_551 : i32
        %get3A_553 = arith.index_cast %add3A_552 : i32 to index
        %get3A_554 = arith.constant 16 : index
        %get3A_555 = tpu.vector_load %arg9[%get3A_553, %get3A_554] {strides = array<i32>} : memref<640x128xf32, #tpu.memory_space<vmem>>, vector<1x16xf32>,
        %get3A_556 = vector.shape_cast %get3A_555 : vector<1x16xf32> to vector<16xf32>
        %add3A_557 = arith.addf %add3A_544, %get3A_556 : vector<16xf32>
        %mul3A_558 = arith.mulf %get3A_556, %get3A_556 : vector<16xf32>
        %add3A_559 = arith.addf %add3A_546, %mul3A_558 : vector<16xf32>
        %max3A_560 = arith.maximumf %max3A_547, %get3A_556 : vector<16xf32>
        %min3A_561 = arith.minimumf %min3A_548, %get3A_556 : vector<16xf32>
        %mul3A_562 = arith.constant 20 : i32
        %mul3A_563 = arith.muli %scan3A_128, %mul3A_562 : i32
        %add3A_564 = arith.constant 13 : i32
        %add3A_565 = arith.addi %mul3A_563, %add3A_564 : i32
        %get3A_566 = arith.index_cast %add3A_565 : i32 to index
        %get3A_567 = arith.constant 16 : index
        %get3A_568 = tpu.vector_load %arg9[%get3A_566, %get3A_567] {strides = array<i32>} : memref<640x128xf32, #tpu.memory_space<vmem>>, vector<1x16xf32>,
        %get3A_569 = vector.shape_cast %get3A_568 : vector<1x16xf32> to vector<16xf32>
        %add3A_570 = arith.addf %add3A_557, %get3A_569 : vector<16xf32>
        %mul3A_571 = arith.mulf %get3A_569, %get3A_569 : vector<16xf32>
        %add3A_572 = arith.addf %add3A_559, %mul3A_571 : vector<16xf32>
        %max3A_573 = arith.maximumf %max3A_560, %get3A_569 : vector<16xf32>
        %min3A_574 = arith.minimumf %min3A_561, %get3A_569 : vector<16xf32>
        %mul3A_575 = arith.constant 20 : i32
        %mul3A_576 = arith.muli %scan3A_128, %mul3A_575 : i32
        %add3A_577 = arith.constant 14 : i32
        %add3A_578 = arith.addi %mul3A_576, %add3A_577 : i32
        %get3A_579 = arith.index_cast %add3A_578 : i32 to index
        %get3A_580 = arith.constant 16 : index
        %get3A_581 = tpu.vector_load %arg9[%get3A_579, %get3A_580] {strides = array<i32>} : memref<640x128xf32, #tpu.memory_space<vmem>>, vector<1x16xf32>,
        %get3A_582 = vector.shape_cast %get3A_581 : vector<1x16xf32> to vector<16xf32>
        %add3A_583 = arith.addf %add3A_570, %get3A_582 : vector<16xf32>
        %mul3A_584 = arith.mulf %get3A_582, %get3A_582 : vector<16xf32>
        %add3A_585 = arith.addf %add3A_572, %mul3A_584 : vector<16xf32>
        %max3A_586 = arith.maximumf %max3A_573, %get3A_582 : vector<16xf32>
        %min3A_587 = arith.minimumf %min3A_574, %get3A_582 : vector<16xf32>
        %mul3A_588 = arith.constant 20 : i32
        %mul3A_589 = arith.muli %scan3A_128, %mul3A_588 : i32
        %add3A_590 = arith.constant 15 : i32
        %add3A_591 = arith.addi %mul3A_589, %add3A_590 : i32
        %get3A_592 = arith.index_cast %add3A_591 : i32 to index
        %get3A_593 = arith.constant 16 : index
        %get3A_594 = tpu.vector_load %arg9[%get3A_592, %get3A_593] {strides = array<i32>} : memref<640x128xf32, #tpu.memory_space<vmem>>, vector<1x16xf32>,
        %get3A_595 = vector.shape_cast %get3A_594 : vector<1x16xf32> to vector<16xf32>
        %add3A_596 = arith.addf %add3A_583, %get3A_595 : vector<16xf32>
        %mul3A_597 = arith.mulf %get3A_595, %get3A_595 : vector<16xf32>
        %add3A_598 = arith.addf %add3A_585, %mul3A_597 : vector<16xf32>
        %max3A_599 = arith.maximumf %max3A_586, %get3A_595 : vector<16xf32>
        %min3A_600 = arith.minimumf %min3A_587, %get3A_595 : vector<16xf32>
        %mul3A_601 = arith.constant 20 : i32
        %mul3A_602 = arith.muli %scan3A_128, %mul3A_601 : i32
        %add3A_603 = arith.constant 16 : i32
        %add3A_604 = arith.addi %mul3A_602, %add3A_603 : i32
        %get3A_605 = arith.index_cast %add3A_604 : i32 to index
        %get3A_606 = arith.constant 16 : index
        %get3A_607 = tpu.vector_load %arg9[%get3A_605, %get3A_606] {strides = array<i32>} : memref<640x128xf32, #tpu.memory_space<vmem>>, vector<1x16xf32>,
        %get3A_608 = vector.shape_cast %get3A_607 : vector<1x16xf32> to vector<16xf32>
        %add3A_609 = arith.addf %add3A_596, %get3A_608 : vector<16xf32>
        %mul3A_610 = arith.mulf %get3A_608, %get3A_608 : vector<16xf32>
        %add3A_611 = arith.addf %add3A_598, %mul3A_610 : vector<16xf32>
        %max3A_612 = arith.maximumf %max3A_599, %get3A_608 : vector<16xf32>
        %min3A_613 = arith.minimumf %min3A_600, %get3A_608 : vector<16xf32>
        %mul3A_614 = arith.constant 20 : i32
        %mul3A_615 = arith.muli %scan3A_128, %mul3A_614 : i32
        %add3A_616 = arith.constant 17 : i32
        %add3A_617 = arith.addi %mul3A_615, %add3A_616 : i32
        %get3A_618 = arith.index_cast %add3A_617 : i32 to index
        %get3A_619 = arith.constant 16 : index
        %get3A_620 = tpu.vector_load %arg9[%get3A_618, %get3A_619] {strides = array<i32>} : memref<640x128xf32, #tpu.memory_space<vmem>>, vector<1x16xf32>,
        %get3A_621 = vector.shape_cast %get3A_620 : vector<1x16xf32> to vector<16xf32>
        %add3A_622 = arith.addf %add3A_609, %get3A_621 : vector<16xf32>
        %mul3A_623 = arith.mulf %get3A_621, %get3A_621 : vector<16xf32>
        %add3A_624 = arith.addf %add3A_611, %mul3A_623 : vector<16xf32>
        %max3A_625 = arith.maximumf %max3A_612, %get3A_621 : vector<16xf32>
        %min3A_626 = arith.minimumf %min3A_613, %get3A_621 : vector<16xf32>
        %mul3A_627 = arith.constant 20 : i32
        %mul3A_628 = arith.muli %scan3A_128, %mul3A_627 : i32
        %add3A_629 = arith.constant 18 : i32
        %add3A_630 = arith.addi %mul3A_628, %add3A_629 : i32
        %get3A_631 = arith.index_cast %add3A_630 : i32 to index
        %get3A_632 = arith.constant 16 : index
        %get3A_633 = tpu.vector_load %arg9[%get3A_631, %get3A_632] {strides = array<i32>} : memref<640x128xf32, #tpu.memory_space<vmem>>, vector<1x16xf32>,
        %get3A_634 = vector.shape_cast %get3A_633 : vector<1x16xf32> to vector<16xf32>
        %add3A_635 = arith.addf %add3A_622, %get3A_634 : vector<16xf32>
        %mul3A_636 = arith.mulf %get3A_634, %get3A_634 : vector<16xf32>
        %add3A_637 = arith.addf %add3A_624, %mul3A_636 : vector<16xf32>
        %max3A_638 = arith.maximumf %max3A_625, %get3A_634 : vector<16xf32>
        %min3A_639 = arith.minimumf %min3A_626, %get3A_634 : vector<16xf32>
        %mul3A_640 = arith.constant 20 : i32
        %mul3A_641 = arith.muli %scan3A_128, %mul3A_640 : i32
        %add3A_642 = arith.constant 19 : i32
        %add3A_643 = arith.addi %mul3A_641, %add3A_642 : i32
        %get3A_644 = arith.index_cast %add3A_643 : i32 to index
        %get3A_645 = arith.constant 16 : index
        %get3A_646 = tpu.vector_load %arg9[%get3A_644, %get3A_645] {strides = array<i32>} : memref<640x128xf32, #tpu.memory_space<vmem>>, vector<1x16xf32>,
        %get3A_647 = vector.shape_cast %get3A_646 : vector<1x16xf32> to vector<16xf32>
        %add3A_648 = arith.addf %add3A_635, %get3A_647 : vector<16xf32>
        %mul3A_649 = arith.mulf %get3A_647, %get3A_647 : vector<16xf32>
        %add3A_650 = arith.addf %add3A_637, %mul3A_649 : vector<16xf32>
        %max3A_651 = arith.maximumf %max3A_638, %get3A_647 : vector<16xf32>
        %min3A_652 = arith.minimumf %min3A_639, %get3A_647 : vector<16xf32>
        %swap3A_653 = arith.index_cast %scan3A_128 : i32 to index
        %swap3A_654 = arith.constant 16 : index
        %swap3A_655 = tpu.vector_load %arg10[%swap3A_653, %swap3A_654] {strides = array<i32>} : memref<32x64xf32, #tpu.memory_space<vmem>>, vector<1x16xf32>,
        %swap3A_656 = vector.shape_cast %swap3A_655 : vector<1x16xf32> to vector<16xf32>
        %swap3A_657 = vector.shape_cast %add3A_648 : vector<16xf32> to vector<1x16xf32>
        tpu.vector_store %arg10[%swap3A_653, %swap3A_654], %swap3A_657 {strides = array<i32>} : memref<32x64xf32, #tpu.memory_space<vmem>>, vector<1x16xf32>,
        %swap3A_658 = arith.index_cast %scan3A_128 : i32 to index
        %swap3A_659 = arith.constant 16 : index
        %swap3A_660 = tpu.vector_load %arg11[%swap3A_658, %swap3A_659] {strides = array<i32>} : memref<32x64xf32, #tpu.memory_space<vmem>>, vector<1x16xf32>,
        %swap3A_661 = vector.shape_cast %swap3A_660 : vector<1x16xf32> to vector<16xf32>
        %swap3A_662 = vector.shape_cast %add3A_650 : vector<16xf32> to vector<1x16xf32>
        tpu.vector_store %arg11[%swap3A_658, %swap3A_659], %swap3A_662 {strides = array<i32>} : memref<32x64xf32, #tpu.memory_space<vmem>>, vector<1x16xf32>,
        %swap3A_663 = arith.index_cast %scan3A_128 : i32 to index
        %swap3A_664 = arith.constant 16 : index
        %swap3A_665 = tpu.vector_load %arg12[%swap3A_663, %swap3A_664] {strides = array<i32>} : memref<32x64xf32, #tpu.memory_space<vmem>>, vector<1x16xf32>,
        %swap3A_666 = vector.shape_cast %swap3A_665 : vector<1x16xf32> to vector<16xf32>
        %swap3A_667 = vector.shape_cast %max3A_651 : vector<16xf32> to vector<1x16xf32>
        tpu.vector_store %arg12[%swap3A_663, %swap3A_664], %swap3A_667 {strides = array<i32>} : memref<32x64xf32, #tpu.memory_space<vmem>>, vector<1x16xf32>,
        %swap3A_668 = arith.index_cast %scan3A_128 : i32 to index
        %swap3A_669 = arith.constant 16 : index
        %swap3A_670 = tpu.vector_load %arg13[%swap3A_668, %swap3A_669] {strides = array<i32>} : memref<32x64xf32, #tpu.memory_space<vmem>>, vector<1x16xf32>,
        %swap3A_671 = vector.shape_cast %swap3A_670 : vector<1x16xf32> to vector<16xf32>
        %swap3A_672 = vector.shape_cast %min3A_652 : vector<16xf32> to vector<1x16xf32>
        tpu.vector_store %arg13[%swap3A_668, %swap3A_669], %swap3A_672 {strides = array<i32>} : memref<32x64xf32, #tpu.memory_space<vmem>>, vector<1x16xf32>,
        %mul3A_673 = arith.constant 20 : i32
        %mul3A_674 = arith.muli %scan3A_128, %mul3A_673 : i32
        %get3A_675 = arith.index_cast %mul3A_674 : i32 to index
        %get3A_676 = arith.constant 32 : index
        %get3A_677 = tpu.vector_load %arg9[%get3A_675, %get3A_676] {strides = array<i32>} : memref<640x128xf32, #tpu.memory_space<vmem>>, vector<1x16xf32>,
        %get3A_678 = vector.shape_cast %get3A_677 : vector<1x16xf32> to vector<16xf32>
        %mul3A_679 = arith.mulf %get3A_678, %get3A_678 : vector<16xf32>
        %mul3A_680 = arith.constant 20 : i32
        %mul3A_681 = arith.muli %scan3A_128, %mul3A_680 : i32
        %add3A_682 = arith.constant 1 : i32
        %add3A_683 = arith.addi %mul3A_681, %add3A_682 : i32
        %get3A_684 = arith.index_cast %add3A_683 : i32 to index
        %get3A_685 = arith.constant 32 : index
        %get3A_686 = tpu.vector_load %arg9[%get3A_684, %get3A_685] {strides = array<i32>} : memref<640x128xf32, #tpu.memory_space<vmem>>, vector<1x16xf32>,
        %get3A_687 = vector.shape_cast %get3A_686 : vector<1x16xf32> to vector<16xf32>
        %add3A_688 = arith.addf %get3A_678, %get3A_687 : vector<16xf32>
        %mul3A_689 = arith.mulf %get3A_687, %get3A_687 : vector<16xf32>
        %add3A_690 = arith.addf %mul3A_679, %mul3A_689 : vector<16xf32>
        %max3A_691 = arith.maximumf %get3A_678, %get3A_687 : vector<16xf32>
        %min3A_692 = arith.minimumf %get3A_678, %get3A_687 : vector<16xf32>
        %mul3A_693 = arith.constant 20 : i32
        %mul3A_694 = arith.muli %scan3A_128, %mul3A_693 : i32
        %add3A_695 = arith.constant 2 : i32
        %add3A_696 = arith.addi %mul3A_694, %add3A_695 : i32
        %get3A_697 = arith.index_cast %add3A_696 : i32 to index
        %get3A_698 = arith.constant 32 : index
        %get3A_699 = tpu.vector_load %arg9[%get3A_697, %get3A_698] {strides = array<i32>} : memref<640x128xf32, #tpu.memory_space<vmem>>, vector<1x16xf32>,
        %get3A_700 = vector.shape_cast %get3A_699 : vector<1x16xf32> to vector<16xf32>
        %add3A_701 = arith.addf %add3A_688, %get3A_700 : vector<16xf32>
        %mul3A_702 = arith.mulf %get3A_700, %get3A_700 : vector<16xf32>
        %add3A_703 = arith.addf %add3A_690, %mul3A_702 : vector<16xf32>
        %max3A_704 = arith.maximumf %max3A_691, %get3A_700 : vector<16xf32>
        %min3A_705 = arith.minimumf %min3A_692, %get3A_700 : vector<16xf32>
        %mul3A_706 = arith.constant 20 : i32
        %mul3A_707 = arith.muli %scan3A_128, %mul3A_706 : i32
        %add3A_708 = arith.constant 3 : i32
        %add3A_709 = arith.addi %mul3A_707, %add3A_708 : i32
        %get3A_710 = arith.index_cast %add3A_709 : i32 to index
        %get3A_711 = arith.constant 32 : index
        %get3A_712 = tpu.vector_load %arg9[%get3A_710, %get3A_711] {strides = array<i32>} : memref<640x128xf32, #tpu.memory_space<vmem>>, vector<1x16xf32>,
        %get3A_713 = vector.shape_cast %get3A_712 : vector<1x16xf32> to vector<16xf32>
        %add3A_714 = arith.addf %add3A_701, %get3A_713 : vector<16xf32>
        %mul3A_715 = arith.mulf %get3A_713, %get3A_713 : vector<16xf32>
        %add3A_716 = arith.addf %add3A_703, %mul3A_715 : vector<16xf32>
        %max3A_717 = arith.maximumf %max3A_704, %get3A_713 : vector<16xf32>
        %min3A_718 = arith.minimumf %min3A_705, %get3A_713 : vector<16xf32>
        %mul3A_719 = arith.constant 20 : i32
        %mul3A_720 = arith.muli %scan3A_128, %mul3A_719 : i32
        %add3A_721 = arith.constant 4 : i32
        %add3A_722 = arith.addi %mul3A_720, %add3A_721 : i32
        %get3A_723 = arith.index_cast %add3A_722 : i32 to index
        %get3A_724 = arith.constant 32 : index
        %get3A_725 = tpu.vector_load %arg9[%get3A_723, %get3A_724] {strides = array<i32>} : memref<640x128xf32, #tpu.memory_space<vmem>>, vector<1x16xf32>,
        %get3A_726 = vector.shape_cast %get3A_725 : vector<1x16xf32> to vector<16xf32>
        %add3A_727 = arith.addf %add3A_714, %get3A_726 : vector<16xf32>
        %mul3A_728 = arith.mulf %get3A_726, %get3A_726 : vector<16xf32>
        %add3A_729 = arith.addf %add3A_716, %mul3A_728 : vector<16xf32>
        %max3A_730 = arith.maximumf %max3A_717, %get3A_726 : vector<16xf32>
        %min3A_731 = arith.minimumf %min3A_718, %get3A_726 : vector<16xf32>
        %mul3A_732 = arith.constant 20 : i32
        %mul3A_733 = arith.muli %scan3A_128, %mul3A_732 : i32
        %add3A_734 = arith.constant 5 : i32
        %add3A_735 = arith.addi %mul3A_733, %add3A_734 : i32
        %get3A_736 = arith.index_cast %add3A_735 : i32 to index
        %get3A_737 = arith.constant 32 : index
        %get3A_738 = tpu.vector_load %arg9[%get3A_736, %get3A_737] {strides = array<i32>} : memref<640x128xf32, #tpu.memory_space<vmem>>, vector<1x16xf32>,
        %get3A_739 = vector.shape_cast %get3A_738 : vector<1x16xf32> to vector<16xf32>
        %add3A_740 = arith.addf %add3A_727, %get3A_739 : vector<16xf32>
        %mul3A_741 = arith.mulf %get3A_739, %get3A_739 : vector<16xf32>
        %add3A_742 = arith.addf %add3A_729, %mul3A_741 : vector<16xf32>
        %max3A_743 = arith.maximumf %max3A_730, %get3A_739 : vector<16xf32>
        %min3A_744 = arith.minimumf %min3A_731, %get3A_739 : vector<16xf32>
        %mul3A_745 = arith.constant 20 : i32
        %mul3A_746 = arith.muli %scan3A_128, %mul3A_745 : i32
        %add3A_747 = arith.constant 6 : i32
        %add3A_748 = arith.addi %mul3A_746, %add3A_747 : i32
        %get3A_749 = arith.index_cast %add3A_748 : i32 to index
        %get3A_750 = arith.constant 32 : index
        %get3A_751 = tpu.vector_load %arg9[%get3A_749, %get3A_750] {strides = array<i32>} : memref<640x128xf32, #tpu.memory_space<vmem>>, vector<1x16xf32>,
        %get3A_752 = vector.shape_cast %get3A_751 : vector<1x16xf32> to vector<16xf32>
        %add3A_753 = arith.addf %add3A_740, %get3A_752 : vector<16xf32>
        %mul3A_754 = arith.mulf %get3A_752, %get3A_752 : vector<16xf32>
        %add3A_755 = arith.addf %add3A_742, %mul3A_754 : vector<16xf32>
        %max3A_756 = arith.maximumf %max3A_743, %get3A_752 : vector<16xf32>
        %min3A_757 = arith.minimumf %min3A_744, %get3A_752 : vector<16xf32>
        %mul3A_758 = arith.constant 20 : i32
        %mul3A_759 = arith.muli %scan3A_128, %mul3A_758 : i32
        %add3A_760 = arith.constant 7 : i32
        %add3A_761 = arith.addi %mul3A_759, %add3A_760 : i32
        %get3A_762 = arith.index_cast %add3A_761 : i32 to index
        %get3A_763 = arith.constant 32 : index
        %get3A_764 = tpu.vector_load %arg9[%get3A_762, %get3A_763] {strides = array<i32>} : memref<640x128xf32, #tpu.memory_space<vmem>>, vector<1x16xf32>,
        %get3A_765 = vector.shape_cast %get3A_764 : vector<1x16xf32> to vector<16xf32>
        %add3A_766 = arith.addf %add3A_753, %get3A_765 : vector<16xf32>
        %mul3A_767 = arith.mulf %get3A_765, %get3A_765 : vector<16xf32>
        %add3A_768 = arith.addf %add3A_755, %mul3A_767 : vector<16xf32>
        %max3A_769 = arith.maximumf %max3A_756, %get3A_765 : vector<16xf32>
        %min3A_770 = arith.minimumf %min3A_757, %get3A_765 : vector<16xf32>
        %mul3A_771 = arith.constant 20 : i32
        %mul3A_772 = arith.muli %scan3A_128, %mul3A_771 : i32
        %add3A_773 = arith.constant 8 : i32
        %add3A_774 = arith.addi %mul3A_772, %add3A_773 : i32
        %get3A_775 = arith.index_cast %add3A_774 : i32 to index
        %get3A_776 = arith.constant 32 : index
        %get3A_777 = tpu.vector_load %arg9[%get3A_775, %get3A_776] {strides = array<i32>} : memref<640x128xf32, #tpu.memory_space<vmem>>, vector<1x16xf32>,
        %get3A_778 = vector.shape_cast %get3A_777 : vector<1x16xf32> to vector<16xf32>
        %add3A_779 = arith.addf %add3A_766, %get3A_778 : vector<16xf32>
        %mul3A_780 = arith.mulf %get3A_778, %get3A_778 : vector<16xf32>
        %add3A_781 = arith.addf %add3A_768, %mul3A_780 : vector<16xf32>
        %max3A_782 = arith.maximumf %max3A_769, %get3A_778 : vector<16xf32>
        %min3A_783 = arith.minimumf %min3A_770, %get3A_778 : vector<16xf32>
        %mul3A_784 = arith.constant 20 : i32
        %mul3A_785 = arith.muli %scan3A_128, %mul3A_784 : i32
        %add3A_786 = arith.constant 9 : i32
        %add3A_787 = arith.addi %mul3A_785, %add3A_786 : i32
        %get3A_788 = arith.index_cast %add3A_787 : i32 to index
        %get3A_789 = arith.constant 32 : index
        %get3A_790 = tpu.vector_load %arg9[%get3A_788, %get3A_789] {strides = array<i32>} : memref<640x128xf32, #tpu.memory_space<vmem>>, vector<1x16xf32>,
        %get3A_791 = vector.shape_cast %get3A_790 : vector<1x16xf32> to vector<16xf32>
        %add3A_792 = arith.addf %add3A_779, %get3A_791 : vector<16xf32>
        %mul3A_793 = arith.mulf %get3A_791, %get3A_791 : vector<16xf32>
        %add3A_794 = arith.addf %add3A_781, %mul3A_793 : vector<16xf32>
        %max3A_795 = arith.maximumf %max3A_782, %get3A_791 : vector<16xf32>
        %min3A_796 = arith.minimumf %min3A_783, %get3A_791 : vector<16xf32>
        %mul3A_797 = arith.constant 20 : i32
        %mul3A_798 = arith.muli %scan3A_128, %mul3A_797 : i32
        %add3A_799 = arith.constant 10 : i32
        %add3A_800 = arith.addi %mul3A_798, %add3A_799 : i32
        %get3A_801 = arith.index_cast %add3A_800 : i32 to index
        %get3A_802 = arith.constant 32 : index
        %get3A_803 = tpu.vector_load %arg9[%get3A_801, %get3A_802] {strides = array<i32>} : memref<640x128xf32, #tpu.memory_space<vmem>>, vector<1x16xf32>,
        %get3A_804 = vector.shape_cast %get3A_803 : vector<1x16xf32> to vector<16xf32>
        %add3A_805 = arith.addf %add3A_792, %get3A_804 : vector<16xf32>
        %mul3A_806 = arith.mulf %get3A_804, %get3A_804 : vector<16xf32>
        %add3A_807 = arith.addf %add3A_794, %mul3A_806 : vector<16xf32>
        %max3A_808 = arith.maximumf %max3A_795, %get3A_804 : vector<16xf32>
        %min3A_809 = arith.minimumf %min3A_796, %get3A_804 : vector<16xf32>
        %mul3A_810 = arith.constant 20 : i32
        %mul3A_811 = arith.muli %scan3A_128, %mul3A_810 : i32
        %add3A_812 = arith.constant 11 : i32
        %add3A_813 = arith.addi %mul3A_811, %add3A_812 : i32
        %get3A_814 = arith.index_cast %add3A_813 : i32 to index
        %get3A_815 = arith.constant 32 : index
        %get3A_816 = tpu.vector_load %arg9[%get3A_814, %get3A_815] {strides = array<i32>} : memref<640x128xf32, #tpu.memory_space<vmem>>, vector<1x16xf32>,
        %get3A_817 = vector.shape_cast %get3A_816 : vector<1x16xf32> to vector<16xf32>
        %add3A_818 = arith.addf %add3A_805, %get3A_817 : vector<16xf32>
        %mul3A_819 = arith.mulf %get3A_817, %get3A_817 : vector<16xf32>
        %add3A_820 = arith.addf %add3A_807, %mul3A_819 : vector<16xf32>
        %max3A_821 = arith.maximumf %max3A_808, %get3A_817 : vector<16xf32>
        %min3A_822 = arith.minimumf %min3A_809, %get3A_817 : vector<16xf32>
        %mul3A_823 = arith.constant 20 : i32
        %mul3A_824 = arith.muli %scan3A_128, %mul3A_823 : i32
        %add3A_825 = arith.constant 12 : i32
        %add3A_826 = arith.addi %mul3A_824, %add3A_825 : i32
        %get3A_827 = arith.index_cast %add3A_826 : i32 to index
        %get3A_828 = arith.constant 32 : index
        %get3A_829 = tpu.vector_load %arg9[%get3A_827, %get3A_828] {strides = array<i32>} : memref<640x128xf32, #tpu.memory_space<vmem>>, vector<1x16xf32>,
        %get3A_830 = vector.shape_cast %get3A_829 : vector<1x16xf32> to vector<16xf32>
        %add3A_831 = arith.addf %add3A_818, %get3A_830 : vector<16xf32>
        %mul3A_832 = arith.mulf %get3A_830, %get3A_830 : vector<16xf32>
        %add3A_833 = arith.addf %add3A_820, %mul3A_832 : vector<16xf32>
        %max3A_834 = arith.maximumf %max3A_821, %get3A_830 : vector<16xf32>
        %min3A_835 = arith.minimumf %min3A_822, %get3A_830 : vector<16xf32>
        %mul3A_836 = arith.constant 20 : i32
        %mul3A_837 = arith.muli %scan3A_128, %mul3A_836 : i32
        %add3A_838 = arith.constant 13 : i32
        %add3A_839 = arith.addi %mul3A_837, %add3A_838 : i32
        %get3A_840 = arith.index_cast %add3A_839 : i32 to index
        %get3A_841 = arith.constant 32 : index
        %get3A_842 = tpu.vector_load %arg9[%get3A_840, %get3A_841] {strides = array<i32>} : memref<640x128xf32, #tpu.memory_space<vmem>>, vector<1x16xf32>,
        %get3A_843 = vector.shape_cast %get3A_842 : vector<1x16xf32> to vector<16xf32>
        %add3A_844 = arith.addf %add3A_831, %get3A_843 : vector<16xf32>
        %mul3A_845 = arith.mulf %get3A_843, %get3A_843 : vector<16xf32>
        %add3A_846 = arith.addf %add3A_833, %mul3A_845 : vector<16xf32>
        %max3A_847 = arith.maximumf %max3A_834, %get3A_843 : vector<16xf32>
        %min3A_848 = arith.minimumf %min3A_835, %get3A_843 : vector<16xf32>
        %mul3A_849 = arith.constant 20 : i32
        %mul3A_850 = arith.muli %scan3A_128, %mul3A_849 : i32
        %add3A_851 = arith.constant 14 : i32
        %add3A_852 = arith.addi %mul3A_850, %add3A_851 : i32
        %get3A_853 = arith.index_cast %add3A_852 : i32 to index
        %get3A_854 = arith.constant 32 : index
        %get3A_855 = tpu.vector_load %arg9[%get3A_853, %get3A_854] {strides = array<i32>} : memref<640x128xf32, #tpu.memory_space<vmem>>, vector<1x16xf32>,
        %get3A_856 = vector.shape_cast %get3A_855 : vector<1x16xf32> to vector<16xf32>
        %add3A_857 = arith.addf %add3A_844, %get3A_856 : vector<16xf32>
        %mul3A_858 = arith.mulf %get3A_856, %get3A_856 : vector<16xf32>
        %add3A_859 = arith.addf %add3A_846, %mul3A_858 : vector<16xf32>
        %max3A_860 = arith.maximumf %max3A_847, %get3A_856 : vector<16xf32>
        %min3A_861 = arith.minimumf %min3A_848, %get3A_856 : vector<16xf32>
        %mul3A_862 = arith.constant 20 : i32
        %mul3A_863 = arith.muli %scan3A_128, %mul3A_862 : i32
        %add3A_864 = arith.constant 15 : i32
        %add3A_865 = arith.addi %mul3A_863, %add3A_864 : i32
        %get3A_866 = arith.index_cast %add3A_865 : i32 to index
        %get3A_867 = arith.constant 32 : index
        %get3A_868 = tpu.vector_load %arg9[%get3A_866, %get3A_867] {strides = array<i32>} : memref<640x128xf32, #tpu.memory_space<vmem>>, vector<1x16xf32>,
        %get3A_869 = vector.shape_cast %get3A_868 : vector<1x16xf32> to vector<16xf32>
        %add3A_870 = arith.addf %add3A_857, %get3A_869 : vector<16xf32>
        %mul3A_871 = arith.mulf %get3A_869, %get3A_869 : vector<16xf32>
        %add3A_872 = arith.addf %add3A_859, %mul3A_871 : vector<16xf32>
        %max3A_873 = arith.maximumf %max3A_860, %get3A_869 : vector<16xf32>
        %min3A_874 = arith.minimumf %min3A_861, %get3A_869 : vector<16xf32>
        %mul3A_875 = arith.constant 20 : i32
        %mul3A_876 = arith.muli %scan3A_128, %mul3A_875 : i32
        %add3A_877 = arith.constant 16 : i32
        %add3A_878 = arith.addi %mul3A_876, %add3A_877 : i32
        %get3A_879 = arith.index_cast %add3A_878 : i32 to index
        %get3A_880 = arith.constant 32 : index
        %get3A_881 = tpu.vector_load %arg9[%get3A_879, %get3A_880] {strides = array<i32>} : memref<640x128xf32, #tpu.memory_space<vmem>>, vector<1x16xf32>,
        %get3A_882 = vector.shape_cast %get3A_881 : vector<1x16xf32> to vector<16xf32>
        %add3A_883 = arith.addf %add3A_870, %get3A_882 : vector<16xf32>
        %mul3A_884 = arith.mulf %get3A_882, %get3A_882 : vector<16xf32>
        %add3A_885 = arith.addf %add3A_872, %mul3A_884 : vector<16xf32>
        %max3A_886 = arith.maximumf %max3A_873, %get3A_882 : vector<16xf32>
        %min3A_887 = arith.minimumf %min3A_874, %get3A_882 : vector<16xf32>
        %mul3A_888 = arith.constant 20 : i32
        %mul3A_889 = arith.muli %scan3A_128, %mul3A_888 : i32
        %add3A_890 = arith.constant 17 : i32
        %add3A_891 = arith.addi %mul3A_889, %add3A_890 : i32
        %get3A_892 = arith.index_cast %add3A_891 : i32 to index
        %get3A_893 = arith.constant 32 : index
        %get3A_894 = tpu.vector_load %arg9[%get3A_892, %get3A_893] {strides = array<i32>} : memref<640x128xf32, #tpu.memory_space<vmem>>, vector<1x16xf32>,
        %get3A_895 = vector.shape_cast %get3A_894 : vector<1x16xf32> to vector<16xf32>
        %add3A_896 = arith.addf %add3A_883, %get3A_895 : vector<16xf32>
        %mul3A_897 = arith.mulf %get3A_895, %get3A_895 : vector<16xf32>
        %add3A_898 = arith.addf %add3A_885, %mul3A_897 : vector<16xf32>
        %max3A_899 = arith.maximumf %max3A_886, %get3A_895 : vector<16xf32>
        %min3A_900 = arith.minimumf %min3A_887, %get3A_895 : vector<16xf32>
        %mul3A_901 = arith.constant 20 : i32
        %mul3A_902 = arith.muli %scan3A_128, %mul3A_901 : i32
        %add3A_903 = arith.constant 18 : i32
        %add3A_904 = arith.addi %mul3A_902, %add3A_903 : i32
        %get3A_905 = arith.index_cast %add3A_904 : i32 to index
        %get3A_906 = arith.constant 32 : index
        %get3A_907 = tpu.vector_load %arg9[%get3A_905, %get3A_906] {strides = array<i32>} : memref<640x128xf32, #tpu.memory_space<vmem>>, vector<1x16xf32>,
        %get3A_908 = vector.shape_cast %get3A_907 : vector<1x16xf32> to vector<16xf32>
        %add3A_909 = arith.addf %add3A_896, %get3A_908 : vector<16xf32>
        %mul3A_910 = arith.mulf %get3A_908, %get3A_908 : vector<16xf32>
        %add3A_911 = arith.addf %add3A_898, %mul3A_910 : vector<16xf32>
        %max3A_912 = arith.maximumf %max3A_899, %get3A_908 : vector<16xf32>
        %min3A_913 = arith.minimumf %min3A_900, %get3A_908 : vector<16xf32>
        %mul3A_914 = arith.constant 20 : i32
        %mul3A_915 = arith.muli %scan3A_128, %mul3A_914 : i32
        %add3A_916 = arith.constant 19 : i32
        %add3A_917 = arith.addi %mul3A_915, %add3A_916 : i32
        %get3A_918 = arith.index_cast %add3A_917 : i32 to index
        %get3A_919 = arith.constant 32 : index
        %get3A_920 = tpu.vector_load %arg9[%get3A_918, %get3A_919] {strides = array<i32>} : memref<640x128xf32, #tpu.memory_space<vmem>>, vector<1x16xf32>,
        %get3A_921 = vector.shape_cast %get3A_920 : vector<1x16xf32> to vector<16xf32>
        %add3A_922 = arith.addf %add3A_909, %get3A_921 : vector<16xf32>
        %mul3A_923 = arith.mulf %get3A_921, %get3A_921 : vector<16xf32>
        %add3A_924 = arith.addf %add3A_911, %mul3A_923 : vector<16xf32>
        %max3A_925 = arith.maximumf %max3A_912, %get3A_921 : vector<16xf32>
        %min3A_926 = arith.minimumf %min3A_913, %get3A_921 : vector<16xf32>
        %swap3A_927 = arith.index_cast %scan3A_128 : i32 to index
        %swap3A_928 = arith.constant 32 : index
        %swap3A_929 = tpu.vector_load %arg10[%swap3A_927, %swap3A_928] {strides = array<i32>} : memref<32x64xf32, #tpu.memory_space<vmem>>, vector<1x16xf32>,
        %swap3A_930 = vector.shape_cast %swap3A_929 : vector<1x16xf32> to vector<16xf32>
        %swap3A_931 = vector.shape_cast %add3A_922 : vector<16xf32> to vector<1x16xf32>
        tpu.vector_store %arg10[%swap3A_927, %swap3A_928], %swap3A_931 {strides = array<i32>} : memref<32x64xf32, #tpu.memory_space<vmem>>, vector<1x16xf32>,
        %swap3A_932 = arith.index_cast %scan3A_128 : i32 to index
        %swap3A_933 = arith.constant 32 : index
        %swap3A_934 = tpu.vector_load %arg11[%swap3A_932, %swap3A_933] {strides = array<i32>} : memref<32x64xf32, #tpu.memory_space<vmem>>, vector<1x16xf32>,
        %swap3A_935 = vector.shape_cast %swap3A_934 : vector<1x16xf32> to vector<16xf32>
        %swap3A_936 = vector.shape_cast %add3A_924 : vector<16xf32> to vector<1x16xf32>
        tpu.vector_store %arg11[%swap3A_932, %swap3A_933], %swap3A_936 {strides = array<i32>} : memref<32x64xf32, #tpu.memory_space<vmem>>, vector<1x16xf32>,
        %swap3A_937 = arith.index_cast %scan3A_128 : i32 to index
        %swap3A_938 = arith.constant 32 : index
        %swap3A_939 = tpu.vector_load %arg12[%swap3A_937, %swap3A_938] {strides = array<i32>} : memref<32x64xf32, #tpu.memory_space<vmem>>, vector<1x16xf32>,
        %swap3A_940 = vector.shape_cast %swap3A_939 : vector<1x16xf32> to vector<16xf32>
        %swap3A_941 = vector.shape_cast %max3A_925 : vector<16xf32> to vector<1x16xf32>
        tpu.vector_store %arg12[%swap3A_937, %swap3A_938], %swap3A_941 {strides = array<i32>} : memref<32x64xf32, #tpu.memory_space<vmem>>, vector<1x16xf32>,
        %swap3A_942 = arith.index_cast %scan3A_128 : i32 to index
        %swap3A_943 = arith.constant 32 : index
        %swap3A_944 = tpu.vector_load %arg13[%swap3A_942, %swap3A_943] {strides = array<i32>} : memref<32x64xf32, #tpu.memory_space<vmem>>, vector<1x16xf32>,
        %swap3A_945 = vector.shape_cast %swap3A_944 : vector<1x16xf32> to vector<16xf32>
        %swap3A_946 = vector.shape_cast %min3A_926 : vector<16xf32> to vector<1x16xf32>
        tpu.vector_store %arg13[%swap3A_942, %swap3A_943], %swap3A_946 {strides = array<i32>} : memref<32x64xf32, #tpu.memory_space<vmem>>, vector<1x16xf32>,
        %mul3A_947 = arith.constant 20 : i32
        %mul3A_948 = arith.muli %scan3A_128, %mul3A_947 : i32
        %get3A_949 = arith.index_cast %mul3A_948 : i32 to index
        %get3A_950 = arith.constant 48 : index
        %get3A_951 = tpu.vector_load %arg9[%get3A_949, %get3A_950] {strides = array<i32>} : memref<640x128xf32, #tpu.memory_space<vmem>>, vector<1x16xf32>,
        %get3A_952 = vector.shape_cast %get3A_951 : vector<1x16xf32> to vector<16xf32>
        %mul3A_953 = arith.mulf %get3A_952, %get3A_952 : vector<16xf32>
        %mul3A_954 = arith.constant 20 : i32
        %mul3A_955 = arith.muli %scan3A_128, %mul3A_954 : i32
        %add3A_956 = arith.constant 1 : i32
        %add3A_957 = arith.addi %mul3A_955, %add3A_956 : i32
        %get3A_958 = arith.index_cast %add3A_957 : i32 to index
        %get3A_959 = arith.constant 48 : index
        %get3A_960 = tpu.vector_load %arg9[%get3A_958, %get3A_959] {strides = array<i32>} : memref<640x128xf32, #tpu.memory_space<vmem>>, vector<1x16xf32>,
        %get3A_961 = vector.shape_cast %get3A_960 : vector<1x16xf32> to vector<16xf32>
        %add3A_962 = arith.addf %get3A_952, %get3A_961 : vector<16xf32>
        %mul3A_963 = arith.mulf %get3A_961, %get3A_961 : vector<16xf32>
        %add3A_964 = arith.addf %mul3A_953, %mul3A_963 : vector<16xf32>
        %max3A_965 = arith.maximumf %get3A_952, %get3A_961 : vector<16xf32>
        %min3A_966 = arith.minimumf %get3A_952, %get3A_961 : vector<16xf32>
        %mul3A_967 = arith.constant 20 : i32
        %mul3A_968 = arith.muli %scan3A_128, %mul3A_967 : i32
        %add3A_969 = arith.constant 2 : i32
        %add3A_970 = arith.addi %mul3A_968, %add3A_969 : i32
        %get3A_971 = arith.index_cast %add3A_970 : i32 to index
        %get3A_972 = arith.constant 48 : index
        %get3A_973 = tpu.vector_load %arg9[%get3A_971, %get3A_972] {strides = array<i32>} : memref<640x128xf32, #tpu.memory_space<vmem>>, vector<1x16xf32>,
        %get3A_974 = vector.shape_cast %get3A_973 : vector<1x16xf32> to vector<16xf32>
        %add3A_975 = arith.addf %add3A_962, %get3A_974 : vector<16xf32>
        %mul3A_976 = arith.mulf %get3A_974, %get3A_974 : vector<16xf32>
        %add3A_977 = arith.addf %add3A_964, %mul3A_976 : vector<16xf32>
        %max3A_978 = arith.maximumf %max3A_965, %get3A_974 : vector<16xf32>
        %min3A_979 = arith.minimumf %min3A_966, %get3A_974 : vector<16xf32>
        %mul3A_980 = arith.constant 20 : i32
        %mul3A_981 = arith.muli %scan3A_128, %mul3A_980 : i32
        %add3A_982 = arith.constant 3 : i32
        %add3A_983 = arith.addi %mul3A_981, %add3A_982 : i32
        %get3A_984 = arith.index_cast %add3A_983 : i32 to index
        %get3A_985 = arith.constant 48 : index
        %get3A_986 = tpu.vector_load %arg9[%get3A_984, %get3A_985] {strides = array<i32>} : memref<640x128xf32, #tpu.memory_space<vmem>>, vector<1x16xf32>,
        %get3A_987 = vector.shape_cast %get3A_986 : vector<1x16xf32> to vector<16xf32>
        %add3A_988 = arith.addf %add3A_975, %get3A_987 : vector<16xf32>
        %mul3A_989 = arith.mulf %get3A_987, %get3A_987 : vector<16xf32>
        %add3A_990 = arith.addf %add3A_977, %mul3A_989 : vector<16xf32>
        %max3A_991 = arith.maximumf %max3A_978, %get3A_987 : vector<16xf32>
        %min3A_992 = arith.minimumf %min3A_979, %get3A_987 : vector<16xf32>
        %mul3A_993 = arith.constant 20 : i32
        %mul3A_994 = arith.muli %scan3A_128, %mul3A_993 : i32
        %add3A_995 = arith.constant 4 : i32
        %add3A_996 = arith.addi %mul3A_994, %add3A_995 : i32
        %get3A_997 = arith.index_cast %add3A_996 : i32 to index
        %get3A_998 = arith.constant 48 : index
        %get3A_999 = tpu.vector_load %arg9[%get3A_997, %get3A_998] {strides = array<i32>} : memref<640x128xf32, #tpu.memory_space<vmem>>, vector<1x16xf32>,
        %get3A_1000 = vector.shape_cast %get3A_999 : vector<1x16xf32> to vector<16xf32>
        %add3A_1001 = arith.addf %add3A_988, %get3A_1000 : vector<16xf32>
        %mul3A_1002 = arith.mulf %get3A_1000, %get3A_1000 : vector<16xf32>
        %add3A_1003 = arith.addf %add3A_990, %mul3A_1002 : vector<16xf32>
        %max3A_1004 = arith.maximumf %max3A_991, %get3A_1000 : vector<16xf32>
        %min3A_1005 = arith.minimumf %min3A_992, %get3A_1000 : vector<16xf32>
        %mul3A_1006 = arith.constant 20 : i32
        %mul3A_1007 = arith.muli %scan3A_128, %mul3A_1006 : i32
        %add3A_1008 = arith.constant 5 : i32
        %add3A_1009 = arith.addi %mul3A_1007, %add3A_1008 : i32
        %get3A_1010 = arith.index_cast %add3A_1009 : i32 to index
        %get3A_1011 = arith.constant 48 : index
        %get3A_1012 = tpu.vector_load %arg9[%get3A_1010, %get3A_1011] {strides = array<i32>} : memref<640x128xf32, #tpu.memory_space<vmem>>, vector<1x16xf32>,
        %get3A_1013 = vector.shape_cast %get3A_1012 : vector<1x16xf32> to vector<16xf32>
        %add3A_1014 = arith.addf %add3A_1001, %get3A_1013 : vector<16xf32>
        %mul3A_1015 = arith.mulf %get3A_1013, %get3A_1013 : vector<16xf32>
        %add3A_1016 = arith.addf %add3A_1003, %mul3A_1015 : vector<16xf32>
        %max3A_1017 = arith.maximumf %max3A_1004, %get3A_1013 : vector<16xf32>
        %min3A_1018 = arith.minimumf %min3A_1005, %get3A_1013 : vector<16xf32>
        %mul3A_1019 = arith.constant 20 : i32
        %mul3A_1020 = arith.muli %scan3A_128, %mul3A_1019 : i32
        %add3A_1021 = arith.constant 6 : i32
        %add3A_1022 = arith.addi %mul3A_1020, %add3A_1021 : i32
        %get3A_1023 = arith.index_cast %add3A_1022 : i32 to index
        %get3A_1024 = arith.constant 48 : index
        %get3A_1025 = tpu.vector_load %arg9[%get3A_1023, %get3A_1024] {strides = array<i32>} : memref<640x128xf32, #tpu.memory_space<vmem>>, vector<1x16xf32>,
        %get3A_1026 = vector.shape_cast %get3A_1025 : vector<1x16xf32> to vector<16xf32>
        %add3A_1027 = arith.addf %add3A_1014, %get3A_1026 : vector<16xf32>
        %mul3A_1028 = arith.mulf %get3A_1026, %get3A_1026 : vector<16xf32>
        %add3A_1029 = arith.addf %add3A_1016, %mul3A_1028 : vector<16xf32>
        %max3A_1030 = arith.maximumf %max3A_1017, %get3A_1026 : vector<16xf32>
        %min3A_1031 = arith.minimumf %min3A_1018, %get3A_1026 : vector<16xf32>
        %mul3A_1032 = arith.constant 20 : i32
        %mul3A_1033 = arith.muli %scan3A_128, %mul3A_1032 : i32
        %add3A_1034 = arith.constant 7 : i32
        %add3A_1035 = arith.addi %mul3A_1033, %add3A_1034 : i32
        %get3A_1036 = arith.index_cast %add3A_1035 : i32 to index
        %get3A_1037 = arith.constant 48 : index
        %get3A_1038 = tpu.vector_load %arg9[%get3A_1036, %get3A_1037] {strides = array<i32>} : memref<640x128xf32, #tpu.memory_space<vmem>>, vector<1x16xf32>,
        %get3A_1039 = vector.shape_cast %get3A_1038 : vector<1x16xf32> to vector<16xf32>
        %add3A_1040 = arith.addf %add3A_1027, %get3A_1039 : vector<16xf32>
        %mul3A_1041 = arith.mulf %get3A_1039, %get3A_1039 : vector<16xf32>
        %add3A_1042 = arith.addf %add3A_1029, %mul3A_1041 : vector<16xf32>
        %max3A_1043 = arith.maximumf %max3A_1030, %get3A_1039 : vector<16xf32>
        %min3A_1044 = arith.minimumf %min3A_1031, %get3A_1039 : vector<16xf32>
        %mul3A_1045 = arith.constant 20 : i32
        %mul3A_1046 = arith.muli %scan3A_128, %mul3A_1045 : i32
        %add3A_1047 = arith.constant 8 : i32
        %add3A_1048 = arith.addi %mul3A_1046, %add3A_1047 : i32
        %get3A_1049 = arith.index_cast %add3A_1048 : i32 to index
        %get3A_1050 = arith.constant 48 : index
        %get3A_1051 = tpu.vector_load %arg9[%get3A_1049, %get3A_1050] {strides = array<i32>} : memref<640x128xf32, #tpu.memory_space<vmem>>, vector<1x16xf32>,
        %get3A_1052 = vector.shape_cast %get3A_1051 : vector<1x16xf32> to vector<16xf32>
        %add3A_1053 = arith.addf %add3A_1040, %get3A_1052 : vector<16xf32>
        %mul3A_1054 = arith.mulf %get3A_1052, %get3A_1052 : vector<16xf32>
        %add3A_1055 = arith.addf %add3A_1042, %mul3A_1054 : vector<16xf32>
        %max3A_1056 = arith.maximumf %max3A_1043, %get3A_1052 : vector<16xf32>
        %min3A_1057 = arith.minimumf %min3A_1044, %get3A_1052 : vector<16xf32>
        %mul3A_1058 = arith.constant 20 : i32
        %mul3A_1059 = arith.muli %scan3A_128, %mul3A_1058 : i32
        %add3A_1060 = arith.constant 9 : i32
        %add3A_1061 = arith.addi %mul3A_1059, %add3A_1060 : i32
        %get3A_1062 = arith.index_cast %add3A_1061 : i32 to index
        %get3A_1063 = arith.constant 48 : index
        %get3A_1064 = tpu.vector_load %arg9[%get3A_1062, %get3A_1063] {strides = array<i32>} : memref<640x128xf32, #tpu.memory_space<vmem>>, vector<1x16xf32>,
        %get3A_1065 = vector.shape_cast %get3A_1064 : vector<1x16xf32> to vector<16xf32>
        %add3A_1066 = arith.addf %add3A_1053, %get3A_1065 : vector<16xf32>
        %mul3A_1067 = arith.mulf %get3A_1065, %get3A_1065 : vector<16xf32>
        %add3A_1068 = arith.addf %add3A_1055, %mul3A_1067 : vector<16xf32>
        %max3A_1069 = arith.maximumf %max3A_1056, %get3A_1065 : vector<16xf32>
        %min3A_1070 = arith.minimumf %min3A_1057, %get3A_1065 : vector<16xf32>
        %mul3A_1071 = arith.constant 20 : i32
        %mul3A_1072 = arith.muli %scan3A_128, %mul3A_1071 : i32
        %add3A_1073 = arith.constant 10 : i32
        %add3A_1074 = arith.addi %mul3A_1072, %add3A_1073 : i32
        %get3A_1075 = arith.index_cast %add3A_1074 : i32 to index
        %get3A_1076 = arith.constant 48 : index
        %get3A_1077 = tpu.vector_load %arg9[%get3A_1075, %get3A_1076] {strides = array<i32>} : memref<640x128xf32, #tpu.memory_space<vmem>>, vector<1x16xf32>,
        %get3A_1078 = vector.shape_cast %get3A_1077 : vector<1x16xf32> to vector<16xf32>
        %add3A_1079 = arith.addf %add3A_1066, %get3A_1078 : vector<16xf32>
        %mul3A_1080 = arith.mulf %get3A_1078, %get3A_1078 : vector<16xf32>
        %add3A_1081 = arith.addf %add3A_1068, %mul3A_1080 : vector<16xf32>
        %max3A_1082 = arith.maximumf %max3A_1069, %get3A_1078 : vector<16xf32>
        %min3A_1083 = arith.minimumf %min3A_1070, %get3A_1078 : vector<16xf32>
        %mul3A_1084 = arith.constant 20 : i32
        %mul3A_1085 = arith.muli %scan3A_128, %mul3A_1084 : i32
        %add3A_1086 = arith.constant 11 : i32
        %add3A_1087 = arith.addi %mul3A_1085, %add3A_1086 : i32
        %get3A_1088 = arith.index_cast %add3A_1087 : i32 to index
        %get3A_1089 = arith.constant 48 : index
        %get3A_1090 = tpu.vector_load %arg9[%get3A_1088, %get3A_1089] {strides = array<i32>} : memref<640x128xf32, #tpu.memory_space<vmem>>, vector<1x16xf32>,
        %get3A_1091 = vector.shape_cast %get3A_1090 : vector<1x16xf32> to vector<16xf32>
        %add3A_1092 = arith.addf %add3A_1079, %get3A_1091 : vector<16xf32>
        %mul3A_1093 = arith.mulf %get3A_1091, %get3A_1091 : vector<16xf32>
        %add3A_1094 = arith.addf %add3A_1081, %mul3A_1093 : vector<16xf32>
        %max3A_1095 = arith.maximumf %max3A_1082, %get3A_1091 : vector<16xf32>
        %min3A_1096 = arith.minimumf %min3A_1083, %get3A_1091 : vector<16xf32>
        %mul3A_1097 = arith.constant 20 : i32
        %mul3A_1098 = arith.muli %scan3A_128, %mul3A_1097 : i32
        %add3A_1099 = arith.constant 12 : i32
        %add3A_1100 = arith.addi %mul3A_1098, %add3A_1099 : i32
        %get3A_1101 = arith.index_cast %add3A_1100 : i32 to index
        %get3A_1102 = arith.constant 48 : index
        %get3A_1103 = tpu.vector_load %arg9[%get3A_1101, %get3A_1102] {strides = array<i32>} : memref<640x128xf32, #tpu.memory_space<vmem>>, vector<1x16xf32>,
        %get3A_1104 = vector.shape_cast %get3A_1103 : vector<1x16xf32> to vector<16xf32>
        %add3A_1105 = arith.addf %add3A_1092, %get3A_1104 : vector<16xf32>
        %mul3A_1106 = arith.mulf %get3A_1104, %get3A_1104 : vector<16xf32>
        %add3A_1107 = arith.addf %add3A_1094, %mul3A_1106 : vector<16xf32>
        %max3A_1108 = arith.maximumf %max3A_1095, %get3A_1104 : vector<16xf32>
        %min3A_1109 = arith.minimumf %min3A_1096, %get3A_1104 : vector<16xf32>
        %mul3A_1110 = arith.constant 20 : i32
        %mul3A_1111 = arith.muli %scan3A_128, %mul3A_1110 : i32
        %add3A_1112 = arith.constant 13 : i32
        %add3A_1113 = arith.addi %mul3A_1111, %add3A_1112 : i32
        %get3A_1114 = arith.index_cast %add3A_1113 : i32 to index
        %get3A_1115 = arith.constant 48 : index
        %get3A_1116 = tpu.vector_load %arg9[%get3A_1114, %get3A_1115] {strides = array<i32>} : memref<640x128xf32, #tpu.memory_space<vmem>>, vector<1x16xf32>,
        %get3A_1117 = vector.shape_cast %get3A_1116 : vector<1x16xf32> to vector<16xf32>
        %add3A_1118 = arith.addf %add3A_1105, %get3A_1117 : vector<16xf32>
        %mul3A_1119 = arith.mulf %get3A_1117, %get3A_1117 : vector<16xf32>
        %add3A_1120 = arith.addf %add3A_1107, %mul3A_1119 : vector<16xf32>
        %max3A_1121 = arith.maximumf %max3A_1108, %get3A_1117 : vector<16xf32>
        %min3A_1122 = arith.minimumf %min3A_1109, %get3A_1117 : vector<16xf32>
        %mul3A_1123 = arith.constant 20 : i32
        %mul3A_1124 = arith.muli %scan3A_128, %mul3A_1123 : i32
        %add3A_1125 = arith.constant 14 : i32
        %add3A_1126 = arith.addi %mul3A_1124, %add3A_1125 : i32
        %get3A_1127 = arith.index_cast %add3A_1126 : i32 to index
        %get3A_1128 = arith.constant 48 : index
        %get3A_1129 = tpu.vector_load %arg9[%get3A_1127, %get3A_1128] {strides = array<i32>} : memref<640x128xf32, #tpu.memory_space<vmem>>, vector<1x16xf32>,
        %get3A_1130 = vector.shape_cast %get3A_1129 : vector<1x16xf32> to vector<16xf32>
        %add3A_1131 = arith.addf %add3A_1118, %get3A_1130 : vector<16xf32>
        %mul3A_1132 = arith.mulf %get3A_1130, %get3A_1130 : vector<16xf32>
        %add3A_1133 = arith.addf %add3A_1120, %mul3A_1132 : vector<16xf32>
        %max3A_1134 = arith.maximumf %max3A_1121, %get3A_1130 : vector<16xf32>
        %min3A_1135 = arith.minimumf %min3A_1122, %get3A_1130 : vector<16xf32>
        %mul3A_1136 = arith.constant 20 : i32
        %mul3A_1137 = arith.muli %scan3A_128, %mul3A_1136 : i32
        %add3A_1138 = arith.constant 15 : i32
        %add3A_1139 = arith.addi %mul3A_1137, %add3A_1138 : i32
        %get3A_1140 = arith.index_cast %add3A_1139 : i32 to index
        %get3A_1141 = arith.constant 48 : index
        %get3A_1142 = tpu.vector_load %arg9[%get3A_1140, %get3A_1141] {strides = array<i32>} : memref<640x128xf32, #tpu.memory_space<vmem>>, vector<1x16xf32>,
        %get3A_1143 = vector.shape_cast %get3A_1142 : vector<1x16xf32> to vector<16xf32>
        %add3A_1144 = arith.addf %add3A_1131, %get3A_1143 : vector<16xf32>
        %mul3A_1145 = arith.mulf %get3A_1143, %get3A_1143 : vector<16xf32>
        %add3A_1146 = arith.addf %add3A_1133, %mul3A_1145 : vector<16xf32>
        %max3A_1147 = arith.maximumf %max3A_1134, %get3A_1143 : vector<16xf32>
        %min3A_1148 = arith.minimumf %min3A_1135, %get3A_1143 : vector<16xf32>
        %mul3A_1149 = arith.constant 20 : i32
        %mul3A_1150 = arith.muli %scan3A_128, %mul3A_1149 : i32
        %add3A_1151 = arith.constant 16 : i32
        %add3A_1152 = arith.addi %mul3A_1150, %add3A_1151 : i32
        %get3A_1153 = arith.index_cast %add3A_1152 : i32 to index
        %get3A_1154 = arith.constant 48 : index
        %get3A_1155 = tpu.vector_load %arg9[%get3A_1153, %get3A_1154] {strides = array<i32>} : memref<640x128xf32, #tpu.memory_space<vmem>>, vector<1x16xf32>,
        %get3A_1156 = vector.shape_cast %get3A_1155 : vector<1x16xf32> to vector<16xf32>
        %add3A_1157 = arith.addf %add3A_1144, %get3A_1156 : vector<16xf32>
        %mul3A_1158 = arith.mulf %get3A_1156, %get3A_1156 : vector<16xf32>
        %add3A_1159 = arith.addf %add3A_1146, %mul3A_1158 : vector<16xf32>
        %max3A_1160 = arith.maximumf %max3A_1147, %get3A_1156 : vector<16xf32>
        %min3A_1161 = arith.minimumf %min3A_1148, %get3A_1156 : vector<16xf32>
        %mul3A_1162 = arith.constant 20 : i32
        %mul3A_1163 = arith.muli %scan3A_128, %mul3A_1162 : i32
        %add3A_1164 = arith.constant 17 : i32
        %add3A_1165 = arith.addi %mul3A_1163, %add3A_1164 : i32
        %get3A_1166 = arith.index_cast %add3A_1165 : i32 to index
        %get3A_1167 = arith.constant 48 : index
        %get3A_1168 = tpu.vector_load %arg9[%get3A_1166, %get3A_1167] {strides = array<i32>} : memref<640x128xf32, #tpu.memory_space<vmem>>, vector<1x16xf32>,
        %get3A_1169 = vector.shape_cast %get3A_1168 : vector<1x16xf32> to vector<16xf32>
        %add3A_1170 = arith.addf %add3A_1157, %get3A_1169 : vector<16xf32>
        %mul3A_1171 = arith.mulf %get3A_1169, %get3A_1169 : vector<16xf32>
        %add3A_1172 = arith.addf %add3A_1159, %mul3A_1171 : vector<16xf32>
        %max3A_1173 = arith.maximumf %max3A_1160, %get3A_1169 : vector<16xf32>
        %min3A_1174 = arith.minimumf %min3A_1161, %get3A_1169 : vector<16xf32>
        %mul3A_1175 = arith.constant 20 : i32
        %mul3A_1176 = arith.muli %scan3A_128, %mul3A_1175 : i32
        %add3A_1177 = arith.constant 18 : i32
        %add3A_1178 = arith.addi %mul3A_1176, %add3A_1177 : i32
        %get3A_1179 = arith.index_cast %add3A_1178 : i32 to index
        %get3A_1180 = arith.constant 48 : index
        %get3A_1181 = tpu.vector_load %arg9[%get3A_1179, %get3A_1180] {strides = array<i32>} : memref<640x128xf32, #tpu.memory_space<vmem>>, vector<1x16xf32>,
        %get3A_1182 = vector.shape_cast %get3A_1181 : vector<1x16xf32> to vector<16xf32>
        %add3A_1183 = arith.addf %add3A_1170, %get3A_1182 : vector<16xf32>
        %mul3A_1184 = arith.mulf %get3A_1182, %get3A_1182 : vector<16xf32>
        %add3A_1185 = arith.addf %add3A_1172, %mul3A_1184 : vector<16xf32>
        %max3A_1186 = arith.maximumf %max3A_1173, %get3A_1182 : vector<16xf32>
        %min3A_1187 = arith.minimumf %min3A_1174, %get3A_1182 : vector<16xf32>
        %mul3A_1188 = arith.constant 20 : i32
        %mul3A_1189 = arith.muli %scan3A_128, %mul3A_1188 : i32
        %add3A_1190 = arith.constant 19 : i32
        %add3A_1191 = arith.addi %mul3A_1189, %add3A_1190 : i32
        %get3A_1192 = arith.index_cast %add3A_1191 : i32 to index
        %get3A_1193 = arith.constant 48 : index
        %get3A_1194 = tpu.vector_load %arg9[%get3A_1192, %get3A_1193] {strides = array<i32>} : memref<640x128xf32, #tpu.memory_space<vmem>>, vector<1x16xf32>,
        %get3A_1195 = vector.shape_cast %get3A_1194 : vector<1x16xf32> to vector<16xf32>
        %add3A_1196 = arith.addf %add3A_1183, %get3A_1195 : vector<16xf32>
        %mul3A_1197 = arith.mulf %get3A_1195, %get3A_1195 : vector<16xf32>
        %add3A_1198 = arith.addf %add3A_1185, %mul3A_1197 : vector<16xf32>
        %max3A_1199 = arith.maximumf %max3A_1186, %get3A_1195 : vector<16xf32>
        %min3A_1200 = arith.minimumf %min3A_1187, %get3A_1195 : vector<16xf32>
        %swap3A_1201 = arith.index_cast %scan3A_128 : i32 to index
        %swap3A_1202 = arith.constant 48 : index
        %swap3A_1203 = tpu.vector_load %arg10[%swap3A_1201, %swap3A_1202] {strides = array<i32>} : memref<32x64xf32, #tpu.memory_space<vmem>>, vector<1x16xf32>,
        %swap3A_1204 = vector.shape_cast %swap3A_1203 : vector<1x16xf32> to vector<16xf32>
        %swap3A_1205 = vector.shape_cast %add3A_1196 : vector<16xf32> to vector<1x16xf32>
        tpu.vector_store %arg10[%swap3A_1201, %swap3A_1202], %swap3A_1205 {strides = array<i32>} : memref<32x64xf32, #tpu.memory_space<vmem>>, vector<1x16xf32>,
        %swap3A_1206 = arith.index_cast %scan3A_128 : i32 to index
        %swap3A_1207 = arith.constant 48 : index
        %swap3A_1208 = tpu.vector_load %arg11[%swap3A_1206, %swap3A_1207] {strides = array<i32>} : memref<32x64xf32, #tpu.memory_space<vmem>>, vector<1x16xf32>,
        %swap3A_1209 = vector.shape_cast %swap3A_1208 : vector<1x16xf32> to vector<16xf32>
        %swap3A_1210 = vector.shape_cast %add3A_1198 : vector<16xf32> to vector<1x16xf32>
        tpu.vector_store %arg11[%swap3A_1206, %swap3A_1207], %swap3A_1210 {strides = array<i32>} : memref<32x64xf32, #tpu.memory_space<vmem>>, vector<1x16xf32>,
        %swap3A_1211 = arith.index_cast %scan3A_128 : i32 to index
        %swap3A_1212 = arith.constant 48 : index
        %swap3A_1213 = tpu.vector_load %arg12[%swap3A_1211, %swap3A_1212] {strides = array<i32>} : memref<32x64xf32, #tpu.memory_space<vmem>>, vector<1x16xf32>,
        %swap3A_1214 = vector.shape_cast %swap3A_1213 : vector<1x16xf32> to vector<16xf32>
        %swap3A_1215 = vector.shape_cast %max3A_1199 : vector<16xf32> to vector<1x16xf32>
        tpu.vector_store %arg12[%swap3A_1211, %swap3A_1212], %swap3A_1215 {strides = array<i32>} : memref<32x64xf32, #tpu.memory_space<vmem>>, vector<1x16xf32>,
        %swap3A_1216 = arith.index_cast %scan3A_128 : i32 to index
        %swap3A_1217 = arith.constant 48 : index
        %swap3A_1218 = tpu.vector_load %arg13[%swap3A_1216, %swap3A_1217] {strides = array<i32>} : memref<32x64xf32, #tpu.memory_space<vmem>>, vector<1x16xf32>,
        %swap3A_1219 = vector.shape_cast %swap3A_1218 : vector<1x16xf32> to vector<16xf32>
        %swap3A_1220 = vector.shape_cast %min3A_1200 : vector<16xf32> to vector<1x16xf32>
        tpu.vector_store %arg13[%swap3A_1216, %swap3A_1217], %swap3A_1220 {strides = array<i32>} : memref<32x64xf32, #tpu.memory_space<vmem>>, vector<1x16xf32>,
      }
      %scan3A_127 = arith.constant 32 : i32
      "tpu.region"() ({
        %run_scoped3A = tpu.sem_alloc : memref<!tpu.dma_semaphore, #tpu.memory_space<semaphore_mem>>
        %dma_start3A_128 = arith.constant 0 : i32
        %dma_start3A_129 = tpu.memref_slice %arg4[%add3A_13, %dma_start3A_128] : memref<16384x64xf32, #tpu.memory_space<hbm>> -> memref<32x64xf32, #tpu.memory_space<hbm>>
        %dma_start3A_130 = arith.constant 0 : i32
        %dma_start3A_131 = tpu.memref_slice %arg4[%add3A_13, %dma_start3A_130] : memref<16384x64xf32, #tpu.memory_space<hbm>> -> memref<32x64xf32, #tpu.memory_space<hbm>>
        tpu.enqueue_dma source(%arg10 : memref<32x64xf32, #tpu.memory_space<vmem>>) target(%dma_start3A_131 : memref<32x64xf32, #tpu.memory_space<hbm>>) target_semaphore(%run_scoped3A : memref<!tpu.dma_semaphore, #tpu.memory_space<semaphore_mem>>)
        %dma_wait3A_132 = arith.constant 0 : i32
        %dma_wait3A_133 = tpu.memref_slice %arg4[%add3A_13, %dma_wait3A_132] : memref<16384x64xf32, #tpu.memory_space<hbm>> -> memref<32x64xf32, #tpu.memory_space<hbm>>
        %dma_wait3A_134 = arith.constant 0 : i32
        %dma_wait3A_135 = tpu.memref_slice %arg4[%add3A_13, %dma_wait3A_134] : memref<16384x64xf32, #tpu.memory_space<hbm>> -> memref<32x64xf32, #tpu.memory_space<hbm>>
        tpu.wait_dma2 semaphore(%run_scoped3A : memref<!tpu.dma_semaphore, #tpu.memory_space<semaphore_mem>>) src(%arg10 : memref<32x64xf32, #tpu.memory_space<vmem>>) dst(%dma_wait3A_135 : memref<32x64xf32, #tpu.memory_space<hbm>>)
        tpu.yield
      }) : () -> ()
      "tpu.region"() ({
        %run_scoped3A = tpu.sem_alloc : memref<!tpu.dma_semaphore, #tpu.memory_space<semaphore_mem>>
        %dma_start3A_128 = arith.constant 0 : i32
        %dma_start3A_129 = tpu.memref_slice %arg5[%add3A_13, %dma_start3A_128] : memref<16384x64xf32, #tpu.memory_space<hbm>> -> memref<32x64xf32, #tpu.memory_space<hbm>>
        %dma_start3A_130 = arith.constant 0 : i32
        %dma_start3A_131 = tpu.memref_slice %arg5[%add3A_13, %dma_start3A_130] : memref<16384x64xf32, #tpu.memory_space<hbm>> -> memref<32x64xf32, #tpu.memory_space<hbm>>
        tpu.enqueue_dma source(%arg11 : memref<32x64xf32, #tpu.memory_space<vmem>>) target(%dma_start3A_131 : memref<32x64xf32, #tpu.memory_space<hbm>>) target_semaphore(%run_scoped3A : memref<!tpu.dma_semaphore, #tpu.memory_space<semaphore_mem>>)
        %dma_wait3A_132 = arith.constant 0 : i32
        %dma_wait3A_133 = tpu.memref_slice %arg5[%add3A_13, %dma_wait3A_132] : memref<16384x64xf32, #tpu.memory_space<hbm>> -> memref<32x64xf32, #tpu.memory_space<hbm>>
        %dma_wait3A_134 = arith.constant 0 : i32
        %dma_wait3A_135 = tpu.memref_slice %arg5[%add3A_13, %dma_wait3A_134] : memref<16384x64xf32, #tpu.memory_space<hbm>> -> memref<32x64xf32, #tpu.memory_space<hbm>>
        tpu.wait_dma2 semaphore(%run_scoped3A : memref<!tpu.dma_semaphore, #tpu.memory_space<semaphore_mem>>) src(%arg11 : memref<32x64xf32, #tpu.memory_space<vmem>>) dst(%dma_wait3A_135 : memref<32x64xf32, #tpu.memory_space<hbm>>)
        tpu.yield
      }) : () -> ()
      "tpu.region"() ({
        %run_scoped3A = tpu.sem_alloc : memref<!tpu.dma_semaphore, #tpu.memory_space<semaphore_mem>>
        %dma_start3A_128 = arith.constant 0 : i32
        %dma_start3A_129 = tpu.memref_slice %arg6[%add3A_13, %dma_start3A_128] : memref<16384x64xf32, #tpu.memory_space<hbm>> -> memref<32x64xf32, #tpu.memory_space<hbm>>
        %dma_start3A_130 = arith.constant 0 : i32
        %dma_start3A_131 = tpu.memref_slice %arg6[%add3A_13, %dma_start3A_130] : memref<16384x64xf32, #tpu.memory_space<hbm>> -> memref<32x64xf32, #tpu.memory_space<hbm>>
        tpu.enqueue_dma source(%arg12 : memref<32x64xf32, #tpu.memory_space<vmem>>) target(%dma_start3A_131 : memref<32x64xf32, #tpu.memory_space<hbm>>) target_semaphore(%run_scoped3A : memref<!tpu.dma_semaphore, #tpu.memory_space<semaphore_mem>>)
        %dma_wait3A_132 = arith.constant 0 : i32
        %dma_wait3A_133 = tpu.memref_slice %arg6[%add3A_13, %dma_wait3A_132] : memref<16384x64xf32, #tpu.memory_space<hbm>> -> memref<32x64xf32, #tpu.memory_space<hbm>>
        %dma_wait3A_134 = arith.constant 0 : i32
        %dma_wait3A_135 = tpu.memref_slice %arg6[%add3A_13, %dma_wait3A_134] : memref<16384x64xf32, #tpu.memory_space<hbm>> -> memref<32x64xf32, #tpu.memory_space<hbm>>
        tpu.wait_dma2 semaphore(%run_scoped3A : memref<!tpu.dma_semaphore, #tpu.memory_space<semaphore_mem>>) src(%arg12 : memref<32x64xf32, #tpu.memory_space<vmem>>) dst(%dma_wait3A_135 : memref<32x64xf32, #tpu.memory_space<hbm>>)
        tpu.yield
      }) : () -> ()
      "tpu.region"() ({
        %run_scoped3A = tpu.sem_alloc : memref<!tpu.dma_semaphore, #tpu.memory_space<semaphore_mem>>
        %dma_start3A_128 = arith.constant 0 : i32
        %dma_start3A_129 = tpu.memref_slice %arg7[%add3A_13, %dma_start3A_128] : memref<16384x64xf32, #tpu.memory_space<hbm>> -> memref<32x64xf32, #tpu.memory_space<hbm>>
        %dma_start3A_130 = arith.constant 0 : i32
        %dma_start3A_131 = tpu.memref_slice %arg7[%add3A_13, %dma_start3A_130] : memref<16384x64xf32, #tpu.memory_space<hbm>> -> memref<32x64xf32, #tpu.memory_space<hbm>>
        tpu.enqueue_dma source(%arg13 : memref<32x64xf32, #tpu.memory_space<vmem>>) target(%dma_start3A_131 : memref<32x64xf32, #tpu.memory_space<hbm>>) target_semaphore(%run_scoped3A : memref<!tpu.dma_semaphore, #tpu.memory_space<semaphore_mem>>)
        %dma_wait3A_132 = arith.constant 0 : i32
        %dma_wait3A_133 = tpu.memref_slice %arg7[%add3A_13, %dma_wait3A_132] : memref<16384x64xf32, #tpu.memory_space<hbm>> -> memref<32x64xf32, #tpu.memory_space<hbm>>
        %dma_wait3A_134 = arith.constant 0 : i32
        %dma_wait3A_135 = tpu.memref_slice %arg7[%add3A_13, %dma_wait3A_134] : memref<16384x64xf32, #tpu.memory_space<hbm>> -> memref<32x64xf32, #tpu.memory_space<hbm>>
        tpu.wait_dma2 semaphore(%run_scoped3A : memref<!tpu.dma_semaphore, #tpu.memory_space<semaphore_mem>>) src(%arg13 : memref<32x64xf32, #tpu.memory_space<vmem>>) dst(%dma_wait3A_135 : memref<32x64xf32, #tpu.memory_space<hbm>>)
        tpu.yield
      }) : () -> ()
    }
    %scan3A_9 = arith.constant 16 : i32
    return
  }
}

module attributes {stable_mosaic.version = 14 : i64} {
  func.func @_topk_body(%arg0: i32, %arg1: i32, %arg2: memref<1x64x4096xf32, #tpu.memory_space<vmem>>, %arg3: memref<1x64x256xf32, #tpu.memory_space<vmem>>, %arg4: memref<1x256x20xi32, #tpu.memory_space<vmem>>) attributes {dimension_semantics = [#tpu.dimension_semantics<arbitrary>, #tpu.dimension_semantics<arbitrary>], iteration_bounds = array<i64: 4, 16>, scalar_prefetch = 0 : i64, scratch_operands = 0 : i64, tpu.core_type = #tpu.core_type<tc>, window_params = [{transform_indices = @transform_0, window_bounds = array<i64: 1, 64, 4096>}, {transform_indices = @transform_1, window_bounds = array<i64: 1, 64, 256>}, {transform_indices = @transform_2, window_bounds = array<i64: 1, 256, 20>}]} {
    %get3A = arith.constant 0 : index
    %get3A_0 = arith.constant 0 : index
    %get3A_1 = arith.constant 0 : index
    %get3A_2 = vector.load %arg2[%get3A, %get3A_0, %get3A_1] : memref<1x64x4096xf32, #tpu.memory_space<vmem>>, vector<1x64x4096xf32>
    %get3A_3 = vector.shape_cast %get3A_2 : vector<1x64x4096xf32> to vector<64x4096xf32>
    %get3A_4 = arith.constant 0 : index
    %get3A_5 = arith.constant 0 : index
    %get3A_6 = arith.constant 0 : index
    %get3A_7 = vector.load %arg3[%get3A_4, %get3A_5, %get3A_6] : memref<1x64x256xf32, #tpu.memory_space<vmem>>, vector<1x64x256xf32>
    %get3A_8 = vector.shape_cast %get3A_7 : vector<1x64x256xf32> to vector<64x256xf32>
    %dot_general3A = arith.constant dense<0.000000e+00> : vector<256x4096xf32>
    %dot_general3A_9 = tpu.matmul %get3A_8, %get3A_3, %dot_general3A {dimension_numbers = #tpu.dot_dimension_numbers<[0], [0], [1], [1], [0, 1, 1, 1], [], []>, transpose_lhs_hint = false} : vector<64x256xf32>, vector<64x4096xf32>, vector<256x4096xf32> -> vector<256x4096xf32>
    %mul3A = arith.mulf %get3A_3, %get3A_3 : vector<64x4096xf32>
    %reduce_sum3A = arith.constant dense<0.000000e+00> : vector<4096xf32>
    %reduce_sum3A_10 = vector.multi_reduction <add>, %mul3A, %reduce_sum3A [0] : vector<64x4096xf32> to vector<4096xf32>
    %broadcast_in_dim3A = vector.shape_cast %reduce_sum3A_10 : vector<4096xf32> to vector<1x4096xf32>
    %mul3A_11 = arith.mulf %get3A_8, %get3A_8 : vector<64x256xf32>
    %reduce_sum3A_12 = arith.constant dense<0.000000e+00> : vector<256xf32>
    %reduce_sum3A_13 = vector.multi_reduction <add>, %mul3A_11, %reduce_sum3A_12 [0] : vector<64x256xf32> to vector<256xf32>
    %broadcast_in_dim3A_14 = vector.shape_cast %reduce_sum3A_13 : vector<256xf32> to vector<256x1xf32>
    %mul3A_15 = arith.constant 2.000000e+00 : f32
    %mul3A_16 = vector.broadcast %mul3A_15 : f32 to vector<256x4096xf32>
    %mul3A_17 = arith.mulf %mul3A_16, %dot_general3A_9 : vector<256x4096xf32>
    %sub3A = vector.broadcast %broadcast_in_dim3A_14 : vector<256x1xf32> to vector<256x4096xf32>
    %sub3A_18 = arith.subf %mul3A_17, %sub3A : vector<256x4096xf32>
    %sub3A_19 = vector.broadcast %broadcast_in_dim3A : vector<1x4096xf32> to vector<256x4096xf32>
    %sub3A_20 = arith.subf %sub3A_18, %sub3A_19 : vector<256x4096xf32>
    %iota3A = tpu.iota {dimensions = array<i32: 1>} : vector<256x4096xi32>
    %argmax3A = tpu.reduce_index %sub3A_20 {axis = 1 : i32, kind = #tpu.reduction_kind<arg_max>} : vector<256x4096xf32> -> vector<256xi32>
    %broadcast_in_dim3A_21 = vector.shape_cast %argmax3A : vector<256xi32> to vector<256x1xi32>
    %eq3A = vector.broadcast %broadcast_in_dim3A_21 : vector<256x1xi32> to vector<256x4096xi32>
    %eq3A_22 = arith.cmpi eq, %iota3A, %eq3A : vector<256x4096xi32>
    %jit3A = arith.constant 0xFF800000 : f32
    %broadcast_in_dim3A_23 = vector.broadcast %jit3A : f32 to vector<256x4096xf32>
    %select_n3A = arith.select %eq3A_22, %broadcast_in_dim3A_23, %sub3A_20 : vector<256x4096xi1>, vector<256x4096xf32>
    %argmax3A_24 = tpu.reduce_index %select_n3A {axis = 1 : i32, kind = #tpu.reduction_kind<arg_max>} : vector<256x4096xf32> -> vector<256xi32>
    %broadcast_in_dim3A_25 = vector.shape_cast %argmax3A_24 : vector<256xi32> to vector<256x1xi32>
    %eq3A_26 = vector.broadcast %broadcast_in_dim3A_25 : vector<256x1xi32> to vector<256x4096xi32>
    %eq3A_27 = arith.cmpi eq, %iota3A, %eq3A_26 : vector<256x4096xi32>
    %jit3A_28 = arith.constant 0xFF800000 : f32
    %broadcast_in_dim3A_29 = vector.broadcast %jit3A_28 : f32 to vector<256x4096xf32>
    %select_n3A_30 = arith.select %eq3A_27, %broadcast_in_dim3A_29, %select_n3A : vector<256x4096xi1>, vector<256x4096xf32>
    %argmax3A_31 = tpu.reduce_index %select_n3A_30 {axis = 1 : i32, kind = #tpu.reduction_kind<arg_max>} : vector<256x4096xf32> -> vector<256xi32>
    %broadcast_in_dim3A_32 = vector.shape_cast %argmax3A_31 : vector<256xi32> to vector<256x1xi32>
    %eq3A_33 = vector.broadcast %broadcast_in_dim3A_32 : vector<256x1xi32> to vector<256x4096xi32>
    %eq3A_34 = arith.cmpi eq, %iota3A, %eq3A_33 : vector<256x4096xi32>
    %jit3A_35 = arith.constant 0xFF800000 : f32
    %broadcast_in_dim3A_36 = vector.broadcast %jit3A_35 : f32 to vector<256x4096xf32>
    %select_n3A_37 = arith.select %eq3A_34, %broadcast_in_dim3A_36, %select_n3A_30 : vector<256x4096xi1>, vector<256x4096xf32>
    %argmax3A_38 = tpu.reduce_index %select_n3A_37 {axis = 1 : i32, kind = #tpu.reduction_kind<arg_max>} : vector<256x4096xf32> -> vector<256xi32>
    %broadcast_in_dim3A_39 = vector.shape_cast %argmax3A_38 : vector<256xi32> to vector<256x1xi32>
    %eq3A_40 = vector.broadcast %broadcast_in_dim3A_39 : vector<256x1xi32> to vector<256x4096xi32>
    %eq3A_41 = arith.cmpi eq, %iota3A, %eq3A_40 : vector<256x4096xi32>
    %jit3A_42 = arith.constant 0xFF800000 : f32
    %broadcast_in_dim3A_43 = vector.broadcast %jit3A_42 : f32 to vector<256x4096xf32>
    %select_n3A_44 = arith.select %eq3A_41, %broadcast_in_dim3A_43, %select_n3A_37 : vector<256x4096xi1>, vector<256x4096xf32>
    %argmax3A_45 = tpu.reduce_index %select_n3A_44 {axis = 1 : i32, kind = #tpu.reduction_kind<arg_max>} : vector<256x4096xf32> -> vector<256xi32>
    %broadcast_in_dim3A_46 = vector.shape_cast %argmax3A_45 : vector<256xi32> to vector<256x1xi32>
    %eq3A_47 = vector.broadcast %broadcast_in_dim3A_46 : vector<256x1xi32> to vector<256x4096xi32>
    %eq3A_48 = arith.cmpi eq, %iota3A, %eq3A_47 : vector<256x4096xi32>
    %jit3A_49 = arith.constant 0xFF800000 : f32
    %broadcast_in_dim3A_50 = vector.broadcast %jit3A_49 : f32 to vector<256x4096xf32>
    %select_n3A_51 = arith.select %eq3A_48, %broadcast_in_dim3A_50, %select_n3A_44 : vector<256x4096xi1>, vector<256x4096xf32>
    %argmax3A_52 = tpu.reduce_index %select_n3A_51 {axis = 1 : i32, kind = #tpu.reduction_kind<arg_max>} : vector<256x4096xf32> -> vector<256xi32>
    %broadcast_in_dim3A_53 = vector.shape_cast %argmax3A_52 : vector<256xi32> to vector<256x1xi32>
    %eq3A_54 = vector.broadcast %broadcast_in_dim3A_53 : vector<256x1xi32> to vector<256x4096xi32>
    %eq3A_55 = arith.cmpi eq, %iota3A, %eq3A_54 : vector<256x4096xi32>
    %jit3A_56 = arith.constant 0xFF800000 : f32
    %broadcast_in_dim3A_57 = vector.broadcast %jit3A_56 : f32 to vector<256x4096xf32>
    %select_n3A_58 = arith.select %eq3A_55, %broadcast_in_dim3A_57, %select_n3A_51 : vector<256x4096xi1>, vector<256x4096xf32>
    %argmax3A_59 = tpu.reduce_index %select_n3A_58 {axis = 1 : i32, kind = #tpu.reduction_kind<arg_max>} : vector<256x4096xf32> -> vector<256xi32>
    %broadcast_in_dim3A_60 = vector.shape_cast %argmax3A_59 : vector<256xi32> to vector<256x1xi32>
    %eq3A_61 = vector.broadcast %broadcast_in_dim3A_60 : vector<256x1xi32> to vector<256x4096xi32>
    %eq3A_62 = arith.cmpi eq, %iota3A, %eq3A_61 : vector<256x4096xi32>
    %jit3A_63 = arith.constant 0xFF800000 : f32
    %broadcast_in_dim3A_64 = vector.broadcast %jit3A_63 : f32 to vector<256x4096xf32>
    %select_n3A_65 = arith.select %eq3A_62, %broadcast_in_dim3A_64, %select_n3A_58 : vector<256x4096xi1>, vector<256x4096xf32>
    %argmax3A_66 = tpu.reduce_index %select_n3A_65 {axis = 1 : i32, kind = #tpu.reduction_kind<arg_max>} : vector<256x4096xf32> -> vector<256xi32>
    %broadcast_in_dim3A_67 = vector.shape_cast %argmax3A_66 : vector<256xi32> to vector<256x1xi32>
    %eq3A_68 = vector.broadcast %broadcast_in_dim3A_67 : vector<256x1xi32> to vector<256x4096xi32>
    %eq3A_69 = arith.cmpi eq, %iota3A, %eq3A_68 : vector<256x4096xi32>
    %jit3A_70 = arith.constant 0xFF800000 : f32
    %broadcast_in_dim3A_71 = vector.broadcast %jit3A_70 : f32 to vector<256x4096xf32>
    %select_n3A_72 = arith.select %eq3A_69, %broadcast_in_dim3A_71, %select_n3A_65 : vector<256x4096xi1>, vector<256x4096xf32>
    %argmax3A_73 = tpu.reduce_index %select_n3A_72 {axis = 1 : i32, kind = #tpu.reduction_kind<arg_max>} : vector<256x4096xf32> -> vector<256xi32>
    %broadcast_in_dim3A_74 = vector.shape_cast %argmax3A_73 : vector<256xi32> to vector<256x1xi32>
    %eq3A_75 = vector.broadcast %broadcast_in_dim3A_74 : vector<256x1xi32> to vector<256x4096xi32>
    %eq3A_76 = arith.cmpi eq, %iota3A, %eq3A_75 : vector<256x4096xi32>
    %jit3A_77 = arith.constant 0xFF800000 : f32
    %broadcast_in_dim3A_78 = vector.broadcast %jit3A_77 : f32 to vector<256x4096xf32>
    %select_n3A_79 = arith.select %eq3A_76, %broadcast_in_dim3A_78, %select_n3A_72 : vector<256x4096xi1>, vector<256x4096xf32>
    %argmax3A_80 = tpu.reduce_index %select_n3A_79 {axis = 1 : i32, kind = #tpu.reduction_kind<arg_max>} : vector<256x4096xf32> -> vector<256xi32>
    %broadcast_in_dim3A_81 = vector.shape_cast %argmax3A_80 : vector<256xi32> to vector<256x1xi32>
    %eq3A_82 = vector.broadcast %broadcast_in_dim3A_81 : vector<256x1xi32> to vector<256x4096xi32>
    %eq3A_83 = arith.cmpi eq, %iota3A, %eq3A_82 : vector<256x4096xi32>
    %jit3A_84 = arith.constant 0xFF800000 : f32
    %broadcast_in_dim3A_85 = vector.broadcast %jit3A_84 : f32 to vector<256x4096xf32>
    %select_n3A_86 = arith.select %eq3A_83, %broadcast_in_dim3A_85, %select_n3A_79 : vector<256x4096xi1>, vector<256x4096xf32>
    %argmax3A_87 = tpu.reduce_index %select_n3A_86 {axis = 1 : i32, kind = #tpu.reduction_kind<arg_max>} : vector<256x4096xf32> -> vector<256xi32>
    %broadcast_in_dim3A_88 = vector.shape_cast %argmax3A_87 : vector<256xi32> to vector<256x1xi32>
    %eq3A_89 = vector.broadcast %broadcast_in_dim3A_88 : vector<256x1xi32> to vector<256x4096xi32>
    %eq3A_90 = arith.cmpi eq, %iota3A, %eq3A_89 : vector<256x4096xi32>
    %jit3A_91 = arith.constant 0xFF800000 : f32
    %broadcast_in_dim3A_92 = vector.broadcast %jit3A_91 : f32 to vector<256x4096xf32>
    %select_n3A_93 = arith.select %eq3A_90, %broadcast_in_dim3A_92, %select_n3A_86 : vector<256x4096xi1>, vector<256x4096xf32>
    %argmax3A_94 = tpu.reduce_index %select_n3A_93 {axis = 1 : i32, kind = #tpu.reduction_kind<arg_max>} : vector<256x4096xf32> -> vector<256xi32>
    %broadcast_in_dim3A_95 = vector.shape_cast %argmax3A_94 : vector<256xi32> to vector<256x1xi32>
    %eq3A_96 = vector.broadcast %broadcast_in_dim3A_95 : vector<256x1xi32> to vector<256x4096xi32>
    %eq3A_97 = arith.cmpi eq, %iota3A, %eq3A_96 : vector<256x4096xi32>
    %jit3A_98 = arith.constant 0xFF800000 : f32
    %broadcast_in_dim3A_99 = vector.broadcast %jit3A_98 : f32 to vector<256x4096xf32>
    %select_n3A_100 = arith.select %eq3A_97, %broadcast_in_dim3A_99, %select_n3A_93 : vector<256x4096xi1>, vector<256x4096xf32>
    %argmax3A_101 = tpu.reduce_index %select_n3A_100 {axis = 1 : i32, kind = #tpu.reduction_kind<arg_max>} : vector<256x4096xf32> -> vector<256xi32>
    %broadcast_in_dim3A_102 = vector.shape_cast %argmax3A_101 : vector<256xi32> to vector<256x1xi32>
    %eq3A_103 = vector.broadcast %broadcast_in_dim3A_102 : vector<256x1xi32> to vector<256x4096xi32>
    %eq3A_104 = arith.cmpi eq, %iota3A, %eq3A_103 : vector<256x4096xi32>
    %jit3A_105 = arith.constant 0xFF800000 : f32
    %broadcast_in_dim3A_106 = vector.broadcast %jit3A_105 : f32 to vector<256x4096xf32>
    %select_n3A_107 = arith.select %eq3A_104, %broadcast_in_dim3A_106, %select_n3A_100 : vector<256x4096xi1>, vector<256x4096xf32>
    %argmax3A_108 = tpu.reduce_index %select_n3A_107 {axis = 1 : i32, kind = #tpu.reduction_kind<arg_max>} : vector<256x4096xf32> -> vector<256xi32>
    %broadcast_in_dim3A_109 = vector.shape_cast %argmax3A_108 : vector<256xi32> to vector<256x1xi32>
    %eq3A_110 = vector.broadcast %broadcast_in_dim3A_109 : vector<256x1xi32> to vector<256x4096xi32>
    %eq3A_111 = arith.cmpi eq, %iota3A, %eq3A_110 : vector<256x4096xi32>
    %jit3A_112 = arith.constant 0xFF800000 : f32
    %broadcast_in_dim3A_113 = vector.broadcast %jit3A_112 : f32 to vector<256x4096xf32>
    %select_n3A_114 = arith.select %eq3A_111, %broadcast_in_dim3A_113, %select_n3A_107 : vector<256x4096xi1>, vector<256x4096xf32>
    %argmax3A_115 = tpu.reduce_index %select_n3A_114 {axis = 1 : i32, kind = #tpu.reduction_kind<arg_max>} : vector<256x4096xf32> -> vector<256xi32>
    %broadcast_in_dim3A_116 = vector.shape_cast %argmax3A_115 : vector<256xi32> to vector<256x1xi32>
    %eq3A_117 = vector.broadcast %broadcast_in_dim3A_116 : vector<256x1xi32> to vector<256x4096xi32>
    %eq3A_118 = arith.cmpi eq, %iota3A, %eq3A_117 : vector<256x4096xi32>
    %jit3A_119 = arith.constant 0xFF800000 : f32
    %broadcast_in_dim3A_120 = vector.broadcast %jit3A_119 : f32 to vector<256x4096xf32>
    %select_n3A_121 = arith.select %eq3A_118, %broadcast_in_dim3A_120, %select_n3A_114 : vector<256x4096xi1>, vector<256x4096xf32>
    %argmax3A_122 = tpu.reduce_index %select_n3A_121 {axis = 1 : i32, kind = #tpu.reduction_kind<arg_max>} : vector<256x4096xf32> -> vector<256xi32>
    %broadcast_in_dim3A_123 = vector.shape_cast %argmax3A_122 : vector<256xi32> to vector<256x1xi32>
    %eq3A_124 = vector.broadcast %broadcast_in_dim3A_123 : vector<256x1xi32> to vector<256x4096xi32>
    %eq3A_125 = arith.cmpi eq, %iota3A, %eq3A_124 : vector<256x4096xi32>
    %jit3A_126 = arith.constant 0xFF800000 : f32
    %broadcast_in_dim3A_127 = vector.broadcast %jit3A_126 : f32 to vector<256x4096xf32>
    %select_n3A_128 = arith.select %eq3A_125, %broadcast_in_dim3A_127, %select_n3A_121 : vector<256x4096xi1>, vector<256x4096xf32>
    %argmax3A_129 = tpu.reduce_index %select_n3A_128 {axis = 1 : i32, kind = #tpu.reduction_kind<arg_max>} : vector<256x4096xf32> -> vector<256xi32>
    %broadcast_in_dim3A_130 = vector.shape_cast %argmax3A_129 : vector<256xi32> to vector<256x1xi32>
    %eq3A_131 = vector.broadcast %broadcast_in_dim3A_130 : vector<256x1xi32> to vector<256x4096xi32>
    %eq3A_132 = arith.cmpi eq, %iota3A, %eq3A_131 : vector<256x4096xi32>
    %jit3A_133 = arith.constant 0xFF800000 : f32
    %broadcast_in_dim3A_134 = vector.broadcast %jit3A_133 : f32 to vector<256x4096xf32>
    %select_n3A_135 = arith.select %eq3A_132, %broadcast_in_dim3A_134, %select_n3A_128 : vector<256x4096xi1>, vector<256x4096xf32>
    %argmax3A_136 = tpu.reduce_index %select_n3A_135 {axis = 1 : i32, kind = #tpu.reduction_kind<arg_max>} : vector<256x4096xf32> -> vector<256xi32>
    %broadcast_in_dim3A_137 = vector.shape_cast %argmax3A_136 : vector<256xi32> to vector<256x1xi32>
    %eq3A_138 = vector.broadcast %broadcast_in_dim3A_137 : vector<256x1xi32> to vector<256x4096xi32>
    %eq3A_139 = arith.cmpi eq, %iota3A, %eq3A_138 : vector<256x4096xi32>
    %jit3A_140 = arith.constant 0xFF800000 : f32
    %broadcast_in_dim3A_141 = vector.broadcast %jit3A_140 : f32 to vector<256x4096xf32>
    %select_n3A_142 = arith.select %eq3A_139, %broadcast_in_dim3A_141, %select_n3A_135 : vector<256x4096xi1>, vector<256x4096xf32>
    %argmax3A_143 = tpu.reduce_index %select_n3A_142 {axis = 1 : i32, kind = #tpu.reduction_kind<arg_max>} : vector<256x4096xf32> -> vector<256xi32>
    %broadcast_in_dim3A_144 = vector.shape_cast %argmax3A_143 : vector<256xi32> to vector<256x1xi32>
    %eq3A_145 = vector.broadcast %broadcast_in_dim3A_144 : vector<256x1xi32> to vector<256x4096xi32>
    %eq3A_146 = arith.cmpi eq, %iota3A, %eq3A_145 : vector<256x4096xi32>
    %jit3A_147 = arith.constant 0xFF800000 : f32
    %broadcast_in_dim3A_148 = vector.broadcast %jit3A_147 : f32 to vector<256x4096xf32>
    %select_n3A_149 = arith.select %eq3A_146, %broadcast_in_dim3A_148, %select_n3A_142 : vector<256x4096xi1>, vector<256x4096xf32>
    %argmax3A_150 = tpu.reduce_index %select_n3A_149 {axis = 1 : i32, kind = #tpu.reduction_kind<arg_max>} : vector<256x4096xf32> -> vector<256xi32>
    %broadcast_in_dim3A_151 = vector.shape_cast %argmax3A_150 : vector<256xi32> to vector<256x1xi32>
    %concatenate3A = tpu.concatenate %broadcast_in_dim3A_21, %broadcast_in_dim3A_25, %broadcast_in_dim3A_32, %broadcast_in_dim3A_39, %broadcast_in_dim3A_46, %broadcast_in_dim3A_53, %broadcast_in_dim3A_60, %broadcast_in_dim3A_67, %broadcast_in_dim3A_74, %broadcast_in_dim3A_81, %broadcast_in_dim3A_88, %broadcast_in_dim3A_95, %broadcast_in_dim3A_102, %broadcast_in_dim3A_109, %broadcast_in_dim3A_116, %broadcast_in_dim3A_123, %broadcast_in_dim3A_130, %broadcast_in_dim3A_137, %broadcast_in_dim3A_144, %broadcast_in_dim3A_151 in 1 : vector<256x1xi32>, vector<256x1xi32>, vector<256x1xi32>, vector<256x1xi32>, vector<256x1xi32>, vector<256x1xi32>, vector<256x1xi32>, vector<256x1xi32>, vector<256x1xi32>, vector<256x1xi32>, vector<256x1xi32>, vector<256x1xi32>, vector<256x1xi32>, vector<256x1xi32>, vector<256x1xi32>, vector<256x1xi32>, vector<256x1xi32>, vector<256x1xi32>, vector<256x1xi32>, vector<256x1xi32> -> vector<256x20xi32>
    %mul3A_152 = arith.constant 4096 : i32
    %mul3A_153 = arith.muli %arg0, %mul3A_152 : i32
    %add3A = vector.broadcast %mul3A_153 : i32 to vector<256x20xi32>
    %add3A_154 = arith.addi %concatenate3A, %add3A : vector<256x20xi32>
    %swap3A = arith.constant 0 : index
    %swap3A_155 = arith.constant 0 : index
    %swap3A_156 = arith.constant 0 : index
    %swap3A_157 = vector.load %arg4[%swap3A, %swap3A_155, %swap3A_156] : memref<1x256x20xi32, #tpu.memory_space<vmem>>, vector<1x256x20xi32>
    %swap3A_158 = vector.shape_cast %swap3A_157 : vector<1x256x20xi32> to vector<256x20xi32>
    %swap3A_159 = vector.shape_cast %add3A_154 : vector<256x20xi32> to vector<1x256x20xi32>
    tpu.vector_store %arg4[%swap3A, %swap3A_155, %swap3A_156], %swap3A_159 {strides = array<i32>} : memref<1x256x20xi32, #tpu.memory_space<vmem>>, vector<1x256x20xi32>,
    return
  }
  func.func @transform_0(%arg0: i32, %arg1: i32) -> (i32, i32, i32) {
    %c0_i32 = arith.constant 0 : i32
    %c0_i32_0 = arith.constant 0 : i32
    %c0_i32_1 = arith.constant 0 : i32
    return %arg0, %c0_i32, %c0_i32_0 : i32, i32, i32
  }
  func.func @transform_1(%arg0: i32, %arg1: i32) -> (i32, i32, i32) {
    %c0_i32 = arith.constant 0 : i32
    %c0_i32_0 = arith.constant 0 : i32
    return %arg0, %c0_i32, %arg1 : i32, i32, i32
  }
  func.func @transform_2(%arg0: i32, %arg1: i32) -> (i32, i32, i32) {
    %c0_i32 = arith.constant 0 : i32
    %c0_i32_0 = arith.constant 0 : i32
    return %arg0, %arg1, %c0_i32 : i32, i32, i32
  }
}

module attributes {stable_mosaic.version = 14 : i64} {
  func.func @_pq_body(%arg0: i32, %arg1: memref<1x64x4096xf32, #tpu.memory_space<vmem>>, %arg2: memref<64x128xf32, #tpu.memory_space<vmem>>, %arg3: memref<64xf32, #tpu.memory_space<vmem>>, %arg4: memref<1x4096x64xf32, #tpu.memory_space<vmem>>, %arg5: memref<1x4096x128xf32, #tpu.memory_space<vmem>>) attributes {dimension_semantics = [#tpu.dimension_semantics<arbitrary>], iteration_bounds = array<i64: 4>, scalar_prefetch = 0 : i64, scratch_operands = 0 : i64, tpu.core_type = #tpu.core_type<tc>, window_params = [{transform_indices = @transform_0, window_bounds = array<i64: 1, 64, 4096>}, {pipeline_mode = #tpu.pipeline_mode<synchronous>, transform_indices = @transform_1, window_bounds = array<i64: 64, 128>}, {pipeline_mode = #tpu.pipeline_mode<synchronous>, transform_indices = @transform_2, window_bounds = array<i64: 64>}, {transform_indices = @transform_3, window_bounds = array<i64: 1, 4096, 64>}, {transform_indices = @transform_4, window_bounds = array<i64: 1, 4096, 128>}]} {
    %get3A = arith.constant 0 : index
    %get3A_0 = arith.constant 0 : index
    %get3A_1 = arith.constant 0 : index
    %get3A_2 = vector.load %arg1[%get3A, %get3A_0, %get3A_1] : memref<1x64x4096xf32, #tpu.memory_space<vmem>>, vector<1x64x4096xf32>
    %get3A_3 = vector.shape_cast %get3A_2 : vector<1x64x4096xf32> to vector<64x4096xf32>
    %get3A_4 = arith.constant 0 : index
    %get3A_5 = arith.constant 0 : index
    %get3A_6 = vector.load %arg2[%get3A_4, %get3A_5] : memref<64x128xf32, #tpu.memory_space<vmem>>, vector<64x128xf32>
    %slice3A = vector.extract_strided_slice %get3A_6 {offsets = [0, 0], sizes = [64, 64], strides = [1, 1]} : vector<64x128xf32> to vector<64x64xf32>
    %slice3A_7 = vector.extract_strided_slice %get3A_6 {offsets = [0, 64], sizes = [64, 64], strides = [1, 1]} : vector<64x128xf32> to vector<64x64xf32>
    %dot_general3A = arith.constant dense<0.000000e+00> : vector<4096x64xf32>
    %dot_general3A_8 = tpu.matmul %get3A_3, %slice3A_7, %dot_general3A {dimension_numbers = #tpu.dot_dimension_numbers<[0], [1], [1], [0], [0, 1, 1, 0], [], []>, transpose_lhs_hint = false} : vector<64x4096xf32>, vector<64x64xf32>, vector<4096x64xf32> -> vector<4096x64xf32>
    %broadcast_in_dim3A = arith.constant 0.000000e+00 : f32
    %broadcast_in_dim3A_9 = vector.broadcast %broadcast_in_dim3A : f32 to vector<4096x64xf32>
    %concatenate3A = tpu.concatenate %dot_general3A_8, %broadcast_in_dim3A_9 in 1 : vector<4096x64xf32>, vector<4096x64xf32> -> vector<4096x128xf32>
    %swap3A = arith.constant 0 : index
    %swap3A_10 = arith.constant 0 : index
    %swap3A_11 = arith.constant 0 : index
    %swap3A_12 = vector.load %arg5[%swap3A, %swap3A_10, %swap3A_11] : memref<1x4096x128xf32, #tpu.memory_space<vmem>>, vector<1x4096x128xf32>
    %swap3A_13 = vector.shape_cast %swap3A_12 : vector<1x4096x128xf32> to vector<4096x128xf32>
    %swap3A_14 = vector.shape_cast %concatenate3A : vector<4096x128xf32> to vector<1x4096x128xf32>
    tpu.vector_store %arg5[%swap3A, %swap3A_10, %swap3A_11], %swap3A_14 {strides = array<i32>} : memref<1x4096x128xf32, #tpu.memory_space<vmem>>, vector<1x4096x128xf32>,
    %sub3A = arith.subf %slice3A, %slice3A_7 : vector<64x64xf32>
    %dot_general3A_15 = arith.constant dense<0.000000e+00> : vector<4096x64xf32>
    %dot_general3A_16 = tpu.matmul %get3A_3, %sub3A, %dot_general3A_15 {dimension_numbers = #tpu.dot_dimension_numbers<[0], [1], [1], [0], [0, 1, 1, 0], [], []>, transpose_lhs_hint = false} : vector<64x4096xf32>, vector<64x64xf32>, vector<4096x64xf32> -> vector<4096x64xf32>
    %get3A_17 = arith.constant 0 : index
    %get3A_18 = vector.load %arg3[%get3A_17] : memref<64xf32, #tpu.memory_space<vmem>>, vector<64xf32>
    %broadcast_in_dim3A_19 = vector.shape_cast %get3A_18 : vector<64xf32> to vector<1x64xf32>
    %add3A = vector.broadcast %broadcast_in_dim3A_19 : vector<1x64xf32> to vector<4096x64xf32>
    %add3A_20 = arith.addf %dot_general3A_16, %add3A : vector<4096x64xf32>
    %swap3A_21 = arith.constant 0 : index
    %swap3A_22 = arith.constant 0 : index
    %swap3A_23 = arith.constant 0 : index
    %swap3A_24 = vector.load %arg4[%swap3A_21, %swap3A_22, %swap3A_23] : memref<1x4096x64xf32, #tpu.memory_space<vmem>>, vector<1x4096x64xf32>
    %swap3A_25 = vector.shape_cast %swap3A_24 : vector<1x4096x64xf32> to vector<4096x64xf32>
    %swap3A_26 = vector.shape_cast %add3A_20 : vector<4096x64xf32> to vector<1x4096x64xf32>
    tpu.vector_store %arg4[%swap3A_21, %swap3A_22, %swap3A_23], %swap3A_26 {strides = array<i32>} : memref<1x4096x64xf32, #tpu.memory_space<vmem>>, vector<1x4096x64xf32>,
    return
  }
  func.func @transform_0(%arg0: i32) -> (i32, i32, i32) {
    %c0_i32 = arith.constant 0 : i32
    %c0_i32_0 = arith.constant 0 : i32
    %c0_i32_1 = arith.constant 0 : i32
    return %arg0, %c0_i32, %c0_i32_0 : i32, i32, i32
  }
  func.func @transform_1(%arg0: i32) -> (i32, i32) {
    %c0_i32 = arith.constant 0 : i32
    %c0_i32_0 = arith.constant 0 : i32
    %c0_i32_1 = arith.constant 0 : i32
    return %c0_i32, %c0_i32_0 : i32, i32
  }
  func.func @transform_2(%arg0: i32) -> i32 {
    %c0_i32 = arith.constant 0 : i32
    %c0_i32_0 = arith.constant 0 : i32
    return %c0_i32 : i32
  }
  func.func @transform_3(%arg0: i32) -> (i32, i32, i32) {
    %c0_i32 = arith.constant 0 : i32
    %c0_i32_0 = arith.constant 0 : i32
    %c0_i32_1 = arith.constant 0 : i32
    return %arg0, %c0_i32, %c0_i32_0 : i32, i32, i32
  }
  func.func @transform_4(%arg0: i32) -> (i32, i32, i32) {
    %c0_i32 = arith.constant 0 : i32
    %c0_i32_0 = arith.constant 0 : i32
    %c0_i32_1 = arith.constant 0 : i32
    return %arg0, %c0_i32, %c0_i32_0 : i32, i32, i32
  }
}

module attributes {stable_mosaic.version = 14 : i64} {
  func.func @_stats_body(%arg0: memref<16384x64xf32, #tpu.memory_space<vmem>>, %arg1: memref<16384x64xf32, #tpu.memory_space<vmem>>, %arg2: memref<16384x64xf32, #tpu.memory_space<vmem>>, %arg3: memref<1x64xf32, #tpu.memory_space<vmem>>, %arg4: memref<1x64xf32, #tpu.memory_space<vmem>>) attributes {dimension_semantics = [], scalar_prefetch = 0 : i64, scratch_operands = 0 : i64, tpu.core_type = #tpu.core_type<tc>} {
    %get3A = arith.constant 0 : index
    %get3A_0 = arith.constant 0 : index
    %get3A_1 = vector.load %arg0[%get3A, %get3A_0] : memref<16384x64xf32, #tpu.memory_space<vmem>>, vector<16384x64xf32>
    %get3A_2 = arith.constant 0 : index
    %get3A_3 = arith.constant 0 : index
    %get3A_4 = vector.load %arg1[%get3A_2, %get3A_3] : memref<16384x64xf32, #tpu.memory_space<vmem>>, vector<16384x64xf32>
    %get3A_5 = arith.constant 0 : index
    %get3A_6 = arith.constant 0 : index
    %get3A_7 = vector.load %arg2[%get3A_5, %get3A_6] : memref<16384x64xf32, #tpu.memory_space<vmem>>, vector<16384x64xf32>
    %mul3A = arith.constant 2.000000e+01 : f32
    %mul3A_8 = vector.broadcast %mul3A : f32 to vector<16384x64xf32>
    %mul3A_9 = arith.mulf %mul3A_8, %get3A_1 : vector<16384x64xf32>
    %add3A = arith.addf %mul3A_9, %get3A_4 : vector<16384x64xf32>
    %reduce_sum3A = arith.constant dense<0.000000e+00> : vector<64xf32>
    %reduce_sum3A_10 = vector.multi_reduction <add>, %add3A, %reduce_sum3A [0] : vector<16384x64xf32> to vector<64xf32>
    %broadcast_in_dim3A = vector.shape_cast %reduce_sum3A_10 : vector<64xf32> to vector<1x64xf32>
    %swap3A = arith.constant 0 : index
    %swap3A_11 = arith.constant 0 : index
    %swap3A_12 = vector.load %arg3[%swap3A, %swap3A_11] : memref<1x64xf32, #tpu.memory_space<vmem>>, vector<1x64xf32>
    tpu.vector_store %arg3[%swap3A, %swap3A_11], %broadcast_in_dim3A {strides = array<i32>} : memref<1x64xf32, #tpu.memory_space<vmem>>, vector<1x64xf32>,
    %mul3A_13 = arith.constant 2.000000e+01 : f32
    %mul3A_14 = vector.broadcast %mul3A_13 : f32 to vector<16384x64xf32>
    %mul3A_15 = arith.mulf %mul3A_14, %get3A_1 : vector<16384x64xf32>
    %mul3A_16 = arith.mulf %mul3A_15, %get3A_1 : vector<16384x64xf32>
    %mul3A_17 = arith.constant 2.000000e+00 : f32
    %mul3A_18 = vector.broadcast %mul3A_17 : f32 to vector<16384x64xf32>
    %mul3A_19 = arith.mulf %mul3A_18, %get3A_1 : vector<16384x64xf32>
    %mul3A_20 = arith.mulf %mul3A_19, %get3A_4 : vector<16384x64xf32>
    %add3A_21 = arith.addf %mul3A_16, %mul3A_20 : vector<16384x64xf32>
    %add3A_22 = arith.addf %add3A_21, %get3A_7 : vector<16384x64xf32>
    %reduce_sum3A_23 = arith.constant dense<0.000000e+00> : vector<64xf32>
    %reduce_sum3A_24 = vector.multi_reduction <add>, %add3A_22, %reduce_sum3A_23 [0] : vector<16384x64xf32> to vector<64xf32>
    %broadcast_in_dim3A_25 = vector.shape_cast %reduce_sum3A_24 : vector<64xf32> to vector<1x64xf32>
    %swap3A_26 = arith.constant 0 : index
    %swap3A_27 = arith.constant 0 : index
    %swap3A_28 = vector.load %arg4[%swap3A_26, %swap3A_27] : memref<1x64xf32, #tpu.memory_space<vmem>>, vector<1x64xf32>
    tpu.vector_store %arg4[%swap3A_26, %swap3A_27], %broadcast_in_dim3A_25 {strides = array<i32>} : memref<1x64xf32, #tpu.memory_space<vmem>>, vector<1x64xf32>,
    return
  }
}

module attributes {stable_mosaic.version = 14 : i64} {
  func.func @_final_body(%arg0: i32, %arg1: memref<2048x64xf32, #tpu.memory_space<vmem>>, %arg2: memref<2048x64xf32, #tpu.memory_space<vmem>>, %arg3: memref<2048x64xf32, #tpu.memory_space<vmem>>, %arg4: memref<1x64xf32, #tpu.memory_space<vmem>>, %arg5: memref<1x64xf32, #tpu.memory_space<vmem>>, %arg6: memref<1x64xf32, #tpu.memory_space<vmem>>, %arg7: memref<2048x64xf32, #tpu.memory_space<vmem>>) attributes {dimension_semantics = [#tpu.dimension_semantics<arbitrary>], iteration_bounds = array<i64: 8>, scalar_prefetch = 0 : i64, scratch_operands = 0 : i64, tpu.core_type = #tpu.core_type<tc>, window_params = [{transform_indices = @transform_0, window_bounds = array<i64: 2048, 64>}, {transform_indices = @transform_1, window_bounds = array<i64: 2048, 64>}, {transform_indices = @transform_2, window_bounds = array<i64: 2048, 64>}, {pipeline_mode = #tpu.pipeline_mode<synchronous>, transform_indices = @transform_3, window_bounds = array<i64: 1, 64>}, {pipeline_mode = #tpu.pipeline_mode<synchronous>, transform_indices = @transform_4, window_bounds = array<i64: 1, 64>}, {pipeline_mode = #tpu.pipeline_mode<synchronous>, transform_indices = @transform_5, window_bounds = array<i64: 1, 64>}, {transform_indices = @transform_6, window_bounds = array<i64: 2048, 64>}]} {
    %get3A = arith.constant 0 : index
    %get3A_0 = arith.constant 0 : index
    %get3A_1 = vector.load %arg1[%get3A, %get3A_0] : memref<2048x64xf32, #tpu.memory_space<vmem>>, vector<2048x64xf32>
    %get3A_2 = arith.constant 0 : index
    %get3A_3 = arith.constant 0 : index
    %get3A_4 = vector.load %arg6[%get3A_2, %get3A_3] : memref<1x64xf32, #tpu.memory_space<vmem>>, vector<1x64xf32>
    %gt3A = arith.constant 5.000000e-01 : f32
    %gt3A_5 = vector.broadcast %gt3A : f32 to vector<1x64xf32>
    %gt3A_6 = arith.cmpf ogt, %get3A_4, %gt3A_5 : vector<1x64xf32>
    %get3A_7 = arith.constant 0 : index
    %get3A_8 = arith.constant 0 : index
    %get3A_9 = vector.load %arg2[%get3A_7, %get3A_8] : memref<2048x64xf32, #tpu.memory_space<vmem>>, vector<2048x64xf32>
    %get3A_10 = arith.constant 0 : index
    %get3A_11 = arith.constant 0 : index
    %get3A_12 = vector.load %arg3[%get3A_10, %get3A_11] : memref<2048x64xf32, #tpu.memory_space<vmem>>, vector<2048x64xf32>
    %broadcast_in_dim3A = vector.shape_cast %gt3A_6 : vector<1x64xi1> to vector<1x64xi1>
    %broadcast_in_dim3A_13 = vector.broadcast %broadcast_in_dim3A : vector<1x64xi1> to vector<2048x64xi1>
    %select_n3A = arith.select %broadcast_in_dim3A_13, %get3A_9, %get3A_12 : vector<2048x64xi1>, vector<2048x64xf32>
    %add3A = arith.addf %get3A_1, %select_n3A : vector<2048x64xf32>
    %get3A_14 = arith.constant 0 : index
    %get3A_15 = arith.constant 0 : index
    %get3A_16 = vector.load %arg4[%get3A_14, %get3A_15] : memref<1x64xf32, #tpu.memory_space<vmem>>, vector<1x64xf32>
    %mul3A = vector.broadcast %get3A_16 : vector<1x64xf32> to vector<2048x64xf32>
    %mul3A_17 = arith.mulf %add3A, %mul3A : vector<2048x64xf32>
    %get3A_18 = arith.constant 0 : index
    %get3A_19 = arith.constant 0 : index
    %get3A_20 = vector.load %arg5[%get3A_18, %get3A_19] : memref<1x64xf32, #tpu.memory_space<vmem>>, vector<1x64xf32>
    %add3A_21 = vector.broadcast %get3A_20 : vector<1x64xf32> to vector<2048x64xf32>
    %add3A_22 = arith.addf %mul3A_17, %add3A_21 : vector<2048x64xf32>
    %max3A = arith.constant 0.000000e+00 : f32
    %max3A_23 = vector.broadcast %max3A : f32 to vector<2048x64xf32>
    %max3A_24 = arith.maximumf %add3A_22, %max3A_23 : vector<2048x64xf32>
    %swap3A = arith.constant 0 : index
    %swap3A_25 = arith.constant 0 : index
    %swap3A_26 = vector.load %arg7[%swap3A, %swap3A_25] : memref<2048x64xf32, #tpu.memory_space<vmem>>, vector<2048x64xf32>
    tpu.vector_store %arg7[%swap3A, %swap3A_25], %max3A_24 {strides = array<i32>} : memref<2048x64xf32, #tpu.memory_space<vmem>>, vector<2048x64xf32>,
    return
  }
  func.func @transform_0(%arg0: i32) -> (i32, i32) {
    %c0_i32 = arith.constant 0 : i32
    %c0_i32_0 = arith.constant 0 : i32
    return %arg0, %c0_i32 : i32, i32
  }
  func.func @transform_1(%arg0: i32) -> (i32, i32) {
    %c0_i32 = arith.constant 0 : i32
    %c0_i32_0 = arith.constant 0 : i32
    return %arg0, %c0_i32 : i32, i32
  }
  func.func @transform_2(%arg0: i32) -> (i32, i32) {
    %c0_i32 = arith.constant 0 : i32
    %c0_i32_0 = arith.constant 0 : i32
    return %arg0, %c0_i32 : i32, i32
  }
  func.func @transform_3(%arg0: i32) -> (i32, i32) {
    %c0_i32 = arith.constant 0 : i32
    %c0_i32_0 = arith.constant 0 : i32
    %c0_i32_1 = arith.constant 0 : i32
    return %c0_i32, %c0_i32_0 : i32, i32
  }
  func.func @transform_4(%arg0: i32) -> (i32, i32) {
    %c0_i32 = arith.constant 0 : i32
    %c0_i32_0 = arith.constant 0 : i32
    %c0_i32_1 = arith.constant 0 : i32
    return %c0_i32, %c0_i32_0 : i32, i32
  }
  func.func @transform_5(%arg0: i32) -> (i32, i32) {
    %c0_i32 = arith.constant 0 : i32
    %c0_i32_0 = arith.constant 0 : i32
    %c0_i32_1 = arith.constant 0 : i32
    return %c0_i32, %c0_i32_0 : i32, i32
  }
  func.func @transform_6(%arg0: i32) -> (i32, i32) {
    %c0_i32 = arith.constant 0 : i32
    %c0_i32_0 = arith.constant 0 : i32
    return %arg0, %c0_i32 : i32, i32
  }
}

</mosaic_0001>

<sc_bundles>
// kernel: kernel.7.cloned.1.call-start
scs
__scs_entry_jumppad:
0x0: {  	(pc) =	sbr.rel $0x88, $3  }
0x1: {  	(tag) =	ssettag $0x0;
	lr =	simm.s32 $0x1  }
0x2: {  	[smem:$0x3F9C] =	sst lr;
	_ =	strace $0xD0000000  }
0x3: {  	_ = 	snop  }
0x4: {  	_ = 	snop  }
0x5: {  	_ = 	snop  }
0x6: {  	_ = 	snop  }
0x7: {  	_ = 	snop  }
__scs_overlays_trampoline_lowered:
0x8: {  	[smem:$0x3FAB] =	sst s0  }
0x9: {  	[smem:$0x3FAC] =	sst s1  }
0xa: {  	[smem:$0x3FAD] =	sst s2  }
0xb: {  	[smem:$0x3FAE] =	sst s3  }
0xc: {  	[smem:$0x3FAF] =	sst s4  }
0xd: {  	[smem:$0x3FB0] =	sst s5  }
0xe: {  	[smem:$0x3FB1] =	sst s6  }
0xf: {  	[smem:$0x3FB2] =	sst s7  }
0x10: {  	[smem:$0x3FB3] =	sst s8  }
0x11: {  	[smem:$0x3FB4] =	sst s9;
	s0 =	simm.s32 @!p0 $0x0  }
0x12: {  	s1 =	sld [smem:$0x3F9A];
	s0 =	simm.s32 @p0 $0x1  }
0x13: {  	[smem:$0x3FB5] =	sst s0;
	s0 =	simm.s32 @!p1 $0x0  }
0x14: {  	s2 =	sld [smem:$0x3F99];
	s0 =	simm.s32 @p1 $0x1  }
0x15: {  	[smem:$0x3FB6] =	sst s0;
	s0 =	simm.s32 @!p2 $0x0  }
0x16: {  	s3 =	sld [smem:$0x3FDB];
	s0 =	simm.s32 @p2 $0x1  }
0x17: {  	s4 =	simm.s32 $0x1BF5;
	[smem:$0x3FB8] =	sst s0  }
0x18: {  	s0 =	sld [smem:$0x3F9B];
	_ =	swait.ge [sflag:s4], $0x0  }
0x19: {  	s7 =	sld [smem:$0x3F9C]  }
0x1a: {  	s8 =	sadd.s32 $0xFFFFE003, lr  }
0x1b: {  	s9 =	sadd.s32 $0xFFFFFEF7, lr;
	s5 =	simm.s32 $0xFFFFFFFF;
	p2 =	slt.u32 s8, $0xFFFFF086  }
0x1c: {  	p1 =	slt.u32 s9, $0xF7A;
	s5 =	simm.s32 @!p2 $0x0  }
0x1d: {  	s5 =	simm.s32 @p1 $0x1;
	p0 =	seq.s32 s7, s2  }
0x1e: {  	s7 =	smul.u32 @!p0 $0xF7A, s2;
	p2 =	seq.s32 @!p0 s5, $0x0  }
0x1f: {  	s9 =	smul.u32 $0xF7A, s1;
	s8 =	simm.s32 @!p0 $0x1BF5;
	p2 =	por !p2, p0  }
0x20: {  	[sflag:s8] =	ssyncset.s32 @!p0 $0xFFFFF086;
	s6 =	sadd.s32 @!p0 s3, s7;
	s7 =	simm.s32 @!p0 $0x108  }
0x21: {  	s3 =	sadd.s32 s3, s9;
	s6 =	sadd.s32 @!p0 $0x88, s6;
	s7 =	simm.s32 @p2 $0x1082  }
0x22: {  	[simem:s7], [sflag:s8] =	dma.local @!p0 [hbm:s6], $0xF7A  }
0x23: {  	s9 =	sor.u32 $0xD0000000, s2;
	s6 =	simm.s32 $0x108;
	_ =	swait.ge @!p0 [sflag:s8], $0x0  }
0x24: {  	s3 =	sadd.s32 $0x88, s3;
	s6 =	simm.s32 @!p1 $0x1082;
	[sflag:s4] =	ssyncset.s32 $0xFFFFF086  }
0x25: {  	[simem:s6], [sflag:s4] =	dma.local [hbm:s3], $0xF7A  }
0x26: {  	[smem:$0x3F9C] =	sst s1;
	(tag) =	ssettag s2;
	_ =	strace s9  }
0x27: {  	s1 =	sld [smem:$0x3FAC]  }
0x28: {  	s2 =	sld [smem:$0x3FAD]  }
0x29: {  	s4 =	sld [smem:$0x3FAF]  }
0x2a: {  	p0 =	seq.s32 s5, $0x0;
	s5 =	sld [smem:$0x3FB0]  }
0x2b: {  	s6 =	sld [smem:$0x3FB1]  }
0x2c: {  	s7 =	sld [smem:$0x3FB2]  }
0x2d: {  	s3 =	simm.s32 $0x108;
	s8 =	sld [smem:$0x3FB3]  }
0x2e: {  	s3 =	simm.s32 @!p0 $0x1082;
	s9 =	sld [smem:$0x3FB4]  }
0x2f: {  	lr =	sadd.s32 s0, s3;
	s0 =	sld [smem:$0x3FAB]  }
0x30: {  	s3 =	sld [smem:$0x3FAE]  }
0x31: {  	[smem:$0x3FB7] =	sst s10  }
0x32: {  	s10 =	sld [smem:$0x3FB5];
	_ =	sdelay $0x3  }
0x33: {  	p0 =	seq.s32 s10, $0x1;
	s10 =	sld [smem:$0x3FB7];
	_ =	sdelay $0x3  }
0x34: {  	[smem:$0x3FB7] =	sst s10  }
0x35: {  	s10 =	sld [smem:$0x3FB6];
	_ =	sdelay $0x3  }
0x36: {  	p1 =	seq.s32 s10, $0x1;
	s10 =	sld [smem:$0x3FB7];
	_ =	sdelay $0x3  }
0x37: {  	[smem:$0x3FB7] =	sst s10  }
0x38: {  	s10 =	sld [smem:$0x3FB8]  }
0x39: {  	_ = 	snop;
	(pc) =	sbr.ind lr, $3  }
0x3a: {  	_ = 	snop  }
0x3b: {  	_ = 	snop  }
0x3c: {  	p2 =	seq.s32 s10, $0x1;
	s10 =	sld [smem:$0x3FB7]  }
0x3d: {  	_ =	shalt  }
0x3e: {  	_ =	shalt  }
0x3f: {  	_ =	shalt  }
0x40: {  	_ =	shalt  }
0x41: {  	_ =	shalt  }
0x42: {  	_ =	shalt  }
0x43: {  	_ =	shalt  }
0x44: {  	_ =	shalt  }
0x45: {  	_ =	shalt  }
0x46: {  	_ =	shalt  }
0x47: {  	_ =	shalt  }
0x48: {  	_ =	shalt  }
0x49: {  	_ =	shalt  }
0x4a: {  	_ =	shalt  }
0x4b: {  	_ =	shalt  }
0x4c: {  	_ =	shalt  }
0x4d: {  	_ =	shalt  }
0x4e: {  	_ =	shalt  }
0x4f: {  	_ =	shalt  }
0x50: {  	_ =	shalt  }
0x51: {  	_ =	shalt  }
0x52: {  	_ =	shalt  }
0x53: {  	_ =	shalt  }
0x54: {  	_ =	shalt  }
0x55: {  	_ =	shalt  }
0x56: {  	_ =	shalt  }
0x57: {  	_ =	shalt  }
0x58: {  	_ =	shalt  }
0x59: {  	_ =	shalt  }
0x5a: {  	_ =	shalt  }
0x5b: {  	_ =	shalt  }
0x5c: {  	_ =	shalt  }
0x5d: {  	_ =	shalt  }
0x5e: {  	_ =	shalt  }
0x5f: {  	_ =	shalt  }
0x60: {  	_ =	shalt  }
0x61: {  	_ =	shalt  }
0x62: {  	_ =	shalt  }
0x63: {  	_ =	shalt  }
0x64: {  	_ =	shalt  }
0x65: {  	_ =	shalt  }
0x66: {  	_ =	shalt  }
0x67: {  	_ =	shalt  }
0x68: {  	_ =	shalt  }
0x69: {  	_ =	shalt  }
0x6a: {  	_ =	shalt  }
0x6b: {  	_ =	shalt  }
0x6c: {  	_ =	shalt  }
0x6d: {  	_ =	shalt  }
0x6e: {  	_ =	shalt  }
0x6f: {  	_ =	shalt  }
0x70: {  	_ =	shalt  }
0x71: {  	_ =	shalt  }
0x72: {  	_ =	shalt  }
0x73: {  	_ =	shalt  }
0x74: {  	_ =	shalt  }
0x75: {  	_ =	shalt  }
0x76: {  	_ =	shalt  }
0x77: {  	_ =	shalt  }
0x78: {  	_ =	shalt  }
0x79: {  	_ =	shalt  }
0x7a: {  	_ =	shalt  }
0x7b: {  	_ =	shalt  }
0x7c: {  	_ =	shalt  }
0x7d: {  	_ =	shalt  }
0x7e: {  	_ =	shalt  }
0x7f: {  	_ =	shalt  }
0x80: {  	_ =	shalt  }
0x81: {  	_ =	shalt  }
0x82: {  	_ =	shalt  }
0x83: {  	_ =	shalt  }
0x84: {  	_ =	shalt  }
0x85: {  	_ =	shalt  }
0x86: {  	_ =	shalt  }
0x87: {  	_ =	shalt  }
.Lfunc_end0:
.L_simem_size_0:
called_computation_lowered:
.L_overlay_start_0:
0x88: {  	s2 =	sld [smem:$0x3FD9]  }
0x89: {  	s3 =	sld [smem:$0x3FFE];
	_ =	sdelay $0x1  }
0x8a: {  	s1 =	srdreg.scid  }
0x8b: {  	s0 =	sand.u32 $0x1, s1  }
0x8c: {  	s17 =	sshll.u32 s0, $0xA;
	s2 =	sadd.s32 s3, s2  }
0x8d: {  	s2 =	sadd.s32 s2, s17  }
0x8e: {  	[smem:$0x3FC3] =	sst s2  }
0x8f: {  	_ = 	snop  }
0x90: {  	s2 =	sld [smem:$0x3FD0];
	(tm) =	ssettm $0x1  }
0x91: {  	s18 =	sld [smem:$0x3FFB];
	_ =	sdelay $0x3  }
0x92: {  	_ =	strace s18  }
0x93: {  	s3 =	sld [smem:$0x3FFC];
	_ =	sdelay $0x3  }
0x94: {  	_ =	strace s3  }
0x95: {  	s3 =	sld [smem:$0x3FFD];
	_ =	sdelay $0x3  }
0x96: {  	_ =	strace s3  }
0x97: {  	_ =	strace $0x8FFFFFFF  }
0x98: {  	s19 =	sld [smem:$0x3FDB];
	_ =	sdelay $0x1  }
0x99: {  	s4 =	simm.s32 $_scs_section_size  }
0x9a: {  	s5 =	simm.s32 $_size__tile_overlayer_lowered;
	s6 =	simm.s32 $_tile_overlayer_lowered  }
0x9b: {  	s22 =	simm.s32 $0x1BFF;
	s21 =	sshll.u32 s6, $0x1;
	s3 =	sadd.s32 s4, s19  }
0x9c: {  	s7 =	simm.s32 $0x0;
	s20 =	sshll.u32 s5, $0x1;
	s5 =	sadd.s32 s21, s3  }
0x9d: {  	[timem:s7], [sflag:s22] =	dma.local [hbm:s5], s20  }
0x9e: {  	_ =	swait.ge [sflag:s22], s20  }
0x9f: {  	s4 =	ssub.s32 $0x0, s20;
	[sflag:s22] =	ssyncset.done $0x0  }
0xa0: {  	[sflag:s22] =	ssyncadd.s32 s4;
	_ =	sdelay $0x1  }
0xa1: {  	s23 =	simm.s32 $0x1B8B  }
0xa2: {  	_ =	swait.ge [sflag:s23], $0x1  }
0xa3: {  	[sflag:s23] =	ssyncset.done $0x0  }
0xa4: {  	s25 =	simm.s32 $0x1B8E;
	s24 =	sld [smem:$0x3FFE];
	[sflag:s23] =	ssyncadd.s32 $0xFFFFFFFF  }
0xa5: {  	s26 =	simm.s32 $execute0_lowered;
	[smem:$0x3FD2] =	sst s25  }
0xa6: {  	s5 =	sshll.u32 s26, $0x1;
	_ =	strace $0x80000046;
	[dreg:$0x1] =	wrdreg $0xFFFFFFFF  }
0xa7: {  	s28 =	simm.s32 $_size_execute0_lowered;
	s3 =	sadd.s32 s3, s5;
	[dreg:$0x0] =	wrdreg $0x0  }
0xa8: {  	s5 =	sshll.u32 s28, $0x1;
	[dreg:$0x2] =	wrdreg s3  }
0xa9: {  	[dreg:$0x3] =	wrdreg s5  }
0xaa: {  	[dreg:$0x4] =	wrdreg $0xC0  }
0xab: {  	_ =	task [dreg:s7], $0x5FFFF  }
0xac: {  	[dreg:$0x1] =	wrdreg $0xFFFFFFFF  }
0xad: {  	[dreg:$0x0] =	wrdreg $0x60  }
0xae: {  	[dreg:$0x2] =	wrdreg s24  }
0xaf: {  	[dreg:$0x3] =	wrdreg s2  }
0xb0: {  	[dreg:$0x4] =	wrdreg $0x9  }
0xb1: {  	_ =	task.clear_ibuf [dreg:s7], $0x5FFFF;
	_ =	strace $0x90000046  }
0xb2: {  	s29 =	simm.s32 $0x9;
	_ =	strace $0x80000048  }
0xb3: {  	_ =	swait.ge [sflag:s29], $0x1  }
0xb4: {  	[sflag:s29] =	ssyncadd.s32 $0xFFFFFFFF  }
0xb5: {  	_ =	strace $0x90000048  }
0xb6: {  	_ =	sfence  }
0xb7: {  	s30 =	sld [smem:$0x0];
	_ =	sdelay $0x2  }
0xb8: {  	s31 =	sshll.u32 s1, $0xD;
	s1 =	sshrl.u32 s1, $0x2  }
0xb9: {  	s3 =	sand.u32 $0x4000, s31;
	s1 =	sadd.s32 s1, s30  }
0xba: {  	s0 =	sor.u32 s3, s0;
	s1 =	sshll.u32 s1, $0x11  }
0xbb: {  	s0 =	sor.u32 s1, s0  }
0xbc: {  	s0 =	sadd.s32 $0x8F2B, s0  }
0xbd: {  	[sflag:s0] =	ssyncadd.remote.s32 $0x1  }
0xbe: {  	_ =	sfence.sel $0xFFFF  }
0xbf: {  	[dreg:$0x0] =	wrdreg $0xFFFFFFFF;
	(pc) =	sbr.abs _section_cstart, $3  }
0xc0: {  	[dreg:$0x1] =	wrdreg $0xFFFFFFFF  }
0xc1: {  	_ =	task.clear_ibuf [dreg:s7], $0x2FFFF;
	_ =	strace $0x9FFFFFFF  }
0xc2: {  	(tm) =	ssettm $0x7FFFFFFF  }
0xc3: {  	_ =	shalt  }
tec
execute0_lowered:
.L_overlay_start_1:
0x0: {  	(tag) =	ssettag $0x1  }
0x1: {  	s7 =	rddreg [dreg:$0x0]  }
0x2: {  	s9 =	rddreg [dreg:$0x1]  }
0x3: {  	s0 =	rddreg [dreg:$0x2]  }
0x4: {  	s1 =	simm.s32 $0x0;
	s5 =	srdreg.scid;
	s2 =	stileid.u32  }
0x5: {  	s13 =	simm.s32 $0x2800;
	s14 =	simm.s32 $0x6800;
	s15 =	simm.s32 $0xA800  }
0x6: {  	s16 =	simm.s32 $0xE800;
	s17 =	simm.s32 $0x12800;
	s18 =	simm.s32 $0x1  }
0x7: {  	s19 =	simm.s32 $0x16800;
	s20 =	simm.s32 $0x17800;
	s21 =	simm.s32 $0x18800  }
0x8: {  	s22 =	simm.s32 $0x19800;
	s23 =	simm.s32 $0x0;
	[smem:$0x7FF] =	sst s1  }
0x9: {  	s3 =	sadd.s32 $0x1E00, s7;
	s4 =	sadd.s32 $0x41E00, s7;
	s6 =	sand.u32 $0x1, s5  }
0xa: {  	s8 =	sshll.u32 s2, $0x1;
	s5 =	sadd.s32 $0x81E00, s7;
	_ =	strace $0x80000047  }
0xb: {  	s10 =	ssub.s32 $0x2, s6;
	s8 =	sor.u32 s6, s8;
	s6 =	sadd.s32 $0xC1E00, s7  }
0xc: {  	s7 =	sadd.s32 $0x101E00, s7;
	s11 =	sshrl.u32 s10, $0x1;
	s12 =	smul.u32 $0x500, s8  }
0xd: {  	s8 =	sshll.u32 s8, $0xD;
	s10 =	ssub.s32 s10, s11;
	s11 =	simm.s32 $0x2  }
0xe: {  	s9 =	sadd.s32 s9, s12;
	s10 =	smax.u32 s10, $0x1;
	s12 =	simm.s32 $0x80  }
.LBB2_1:
0xf: {  	[tilespmem:s1], [sflag:$0x2] =	stream.linear.gather [hbm4b:s9+s1], $0x2800, $0x38;
	[tilespmem:$0x1A800] =	vst v63  }
0x10: {  	_ =	swait.ge [sflag:s11], $0x2800  }
0x11: {  	[sflag:s11] =	ssyncset.done $0x0  }
0x12: {  	s24 =	simm.s32 $0x0;
	[sflag:s11] =	ssyncadd.s32 $0xFFFFD800  }
.LBB2_2:
0x13: {  	s25 =	smul.u32 $0xA00, s24;
	_ =	sdelay $0x1  }
0x14: {  	s25 =	sshra.s32 s25, $0x2  }
0x15: {  	[tilespmem:s13], [sflag:$0x1] =	stream.indirect.gather [hbm4b:s3+s12], $0x80, s25, s12, $0xb8;
	[tilespmem:$0x1A800] =	vst v63  }
0x16: {  	s26 =	sadd.s32 $0x80, s25  }
0x17: {  	[tilespmem:s14], [sflag:$0x1] =	stream.indirect.gather [hbm4b:s3+s12], $0x80, s26, s12, $0xb8;
	[tilespmem:$0x1A800] =	vst v63  }
0x18: {  	s30 =	sadd.s32 $0x100, s25  }
0x19: {  	[tilespmem:s15], [sflag:$0x1] =	stream.indirect.gather [hbm4b:s3+s12], $0x80, s30, s12, $0xb8;
	[tilespmem:$0x1A800] =	vst v63  }
0x1a: {  	s31 =	sadd.s32 $0x180, s25  }
0x1b: {  	[tilespmem:s16], [sflag:$0x1] =	stream.indirect.gather [hbm4b:s3+s12], $0x80, s31, s12, $0xb8;
	[tilespmem:$0x1A800] =	vst v63  }
0x1c: {  	s25 =	sadd.s32 $0x200, s25  }
0x1d: {  	[tilespmem:s17], [sflag:$0x1] =	stream.indirect.gather [hbm4b:s3+s12], $0x80, s25, s12, $0xb8;
	[tilespmem:$0x1A800] =	vst v63  }
0x1e: {  	_ =	swait.ge [sflag:s18], $0x4000  }
0x1f: {  	[sflag:s18] =	ssyncset.done $0x0  }
0x20: {  	[sflag:s18] =	ssyncadd.s32 $0xFFFFC000  }
0x21: {  	_ =	swait.ge [sflag:s18], $0x4000  }
0x22: {  	[sflag:s18] =	ssyncset.done $0x0  }
0x23: {  	[sflag:s18] =	ssyncadd.s32 $0xFFFFC000  }
0x24: {  	_ =	swait.ge [sflag:s18], $0x4000  }
0x25: {  	[sflag:s18] =	ssyncset.done $0x0  }
0x26: {  	[sflag:s18] =	ssyncadd.s32 $0xFFFFC000  }
0x27: {  	_ =	swait.ge [sflag:s18], $0x4000  }
0x28: {  	[sflag:s18] =	ssyncset.done $0x0  }
0x29: {  	[sflag:s18] =	ssyncadd.s32 $0xFFFFC000  }
0x2a: {  	_ =	swait.ge [sflag:s18], $0x4000  }
0x2b: {  	[sflag:s18] =	ssyncset.done $0x0  }
0x2c: {  	s25 =	simm.s32 $0x2D00;
	[sflag:s18] =	ssyncadd.s32 $0xFFFFC000  }
0x2d: {  	v0 =	vld [tilespmem:s25+$0xFFFFFB00]  }
0x2e: {  	v1 =	vld [tilespmem:s25+$0xFFFFFB80];
	_ =	sdelay $0x1  }
0x2f: {  	v2 =	vld [tilespmem:s25+$0xFFFFFC00];
	_ =	sdelay $0x1  }
0x30: {  	v3 =	vld [tilespmem:s25+$0xFFFFFC80]  }
0x31: {  	v4 =	vmul.f32 v0, v0;
	v5 =	vadd.f32 v1, v0;
	v6 =	vmul.f32 v1, v1  }
0x32: {  	v8 =	vld [tilespmem:s25+$0xFFFFFD00]  }
0x33: {  	v27 =	vmul.f32 v2, v2;
	v4 =	vadd.f32 v6, v4;
	v5 =	vadd.f32 v2, v5  }
0x34: {  	v28 =	vld [tilespmem:s25+$0xFFFFFD80];
	v7 =	vmin.f32 v0, v1;
	v0 =	vmax.f32 v0, v1  }
0x35: {  	v29 =	vmul.f32 v3, v3;
	v4 =	vadd.f32 v27, v4;
	v5 =	vadd.f32 v3, v5  }
0x36: {  	v1 =	vmin.f32 v7, v2;
	v0 =	vmax.f32 v0, v2;
	v2 =	vld [tilespmem:s25+$0xFFFFFE00]  }
0x37: {  	v30 =	vmul.f32 v8, v8;
	v4 =	vadd.f32 v29, v4;
	v5 =	vadd.f32 v8, v5  }
0x38: {  	v1 =	vmin.f32 v1, v3;
	v0 =	vmax.f32 v0, v3;
	v3 =	vld [tilespmem:s25+$0xFFFFFE80]  }
0x39: {  	v32 =	vld [tilespmem:s25+$0xFFFFFF00];
	v31 =	vmul.f32 v28, v28;
	v4 =	vadd.f32 v30, v4;
	v5 =	vadd.f32 v28, v5  }
0x3a: {  	v1 =	vmin.f32 v1, v8  }
0x3b: {  	v33 =	vmul.f32 v2, v2;
	v4 =	vadd.f32 v31, v4;
	v5 =	vadd.f32 v2, v5  }
0x3c: {  	v9 =	vld [tilespmem:s25+$0xFFFFFF80];
	v0 =	vmax.f32 v0, v8;
	v1 =	vmin.f32 v1, v28  }
0x3d: {  	v35 =	vmul.f32 v3, v3;
	v4 =	vadd.f32 v33, v4;
	v5 =	vadd.f32 v3, v5  }
0x3e: {  	v34 =	vld [tilespmem:s25+$0x0];
	v10 =	vmul.f32 v32, v32;
	v0 =	vmax.f32 v0, v28;
	v1 =	vmin.f32 v1, v2  }
0x3f: {  	v0 =	vmax.f32 v0, v2;
	v4 =	vadd.f32 v35, v4;
	v5 =	vadd.f32 v32, v5  }
0x40: {  	v1 =	vmin.f32 v1, v3;
	v0 =	vmax.f32 v0, v3;
	v2 =	vld [tilespmem:s25+$0x80]  }
0x41: {  	v36 =	vld [tilespmem:s25+$0x100];
	v3 =	vmul.f32 v9, v9;
	v4 =	vadd.f32 v10, v4;
	v5 =	vadd.f32 v9, v5;
	_ =	sdelay $0x1  }
0x42: {  	v37 =	vld [tilespmem:s25+$0x180];
	v38 =	vmul.f32 v34, v34;
	v3 =	vadd.f32 v3, v4;
	v4 =	vadd.f32 v34, v5  }
0x43: {  	v1 =	vmin.f32 v1, v32;
	v0 =	vmax.f32 v0, v32  }
0x44: {  	v39 =	vmul.f32 v2, v2;
	v3 =	vadd.f32 v38, v3;
	v4 =	vadd.f32 v2, v4  }
0x45: {  	v41 =	vmul.f32 v36, v36;
	v1 =	vmin.f32 v1, v9;
	v0 =	vmax.f32 v0, v9;
	v5 =	vld [tilespmem:s25+$0x200]  }
0x46: {  	v40 =	vld [tilespmem:s25+$0x280];
	v1 =	vmin.f32 v1, v34;
	v3 =	vadd.f32 v39, v3;
	v4 =	vadd.f32 v36, v4  }
0x47: {  	v42 =	vmul.f32 v37, v37;
	v0 =	vmax.f32 v0, v34;
	v1 =	vmin.f32 v1, v2  }
0x48: {  	v0 =	vmax.f32 v0, v2;
	v3 =	vadd.f32 v41, v3;
	v4 =	vadd.f32 v37, v4  }
0x49: {  	v1 =	vmin.f32 v1, v36;
	v0 =	vmax.f32 v0, v36;
	v2 =	vld [tilespmem:s25+$0x300]  }
0x4a: {  	v43 =	vld [tilespmem:s25+$0x380];
	v44 =	vmul.f32 v5, v5;
	v3 =	vadd.f32 v42, v3;
	v4 =	vadd.f32 v5, v4  }
0x4b: {  	v46 =	vmul.f32 v40, v40;
	v1 =	vmin.f32 v1, v37;
	v0 =	vmax.f32 v0, v37  }
0x4c: {  	v1 =	vmin.f32 v1, v5;
	v3 =	vadd.f32 v44, v3;
	v4 =	vadd.f32 v40, v4  }
0x4d: {  	v45 =	vld [tilespmem:s25+$0x400];
	v0 =	vmax.f32 v0, v5;
	v1 =	vmin.f32 v1, v40  }
0x4e: {  	v47 =	vmul.f32 v2, v2;
	v3 =	vadd.f32 v46, v3;
	v4 =	vadd.f32 v2, v4  }
0x4f: {  	v48 =	vmul.f32 v43, v43;
	v0 =	vmax.f32 v0, v40;
	v1 =	vmin.f32 v1, v2;
	v5 =	vld [tilespmem:s25+$0x480]  }
0x50: {  	v0 =	vmax.f32 v0, v2;
	v3 =	vadd.f32 v47, v3;
	v4 =	vadd.f32 v43, v4  }
0x51: {  	v1 =	vmin.f32 v1, v43;
	v0 =	vmax.f32 v0, v43  }
0x52: {  	v2 =	vadd.f32 v48, v3;
	v3 =	vadd.f32 v45, v4;
	v4 =	vmul.f32 v45, v45  }
0x53: {  	v1 =	vmin.f32 v1, v45;
	v0 =	vmax.f32 v0, v45  }
0x54: {  	s26 =	simm.s32 $0x0;
	v1 =	vmin.f32 v1, v5;
	v2 =	vadd.f32 v4, v2;
	v4 =	vmul.f32 v5, v5  }
0x55: {  	v0 =	vmax.f32 v0, v5;
	[tilespmem:s26+$0x19800] =	vst v1;
	v3 =	vadd.f32 v5, v3  }
0x56: {  	[tilespmem:s26+$0x18800] =	vst v0;
	v1 =	vadd.f32 v4, v2  }
0x57: {  	[tilespmem:s26+$0x16800] =	vst v3  }
0x58: {  	[tilespmem:s26+$0x17800] =	vst v1  }
0x59: {  	v0 =	vld [tilespmem:s25+$0xFFFFFB10]  }
0x5a: {  	v1 =	vld [tilespmem:s25+$0xFFFFFB90];
	_ =	sdelay $0x1  }
0x5b: {  	v2 =	vld [tilespmem:s25+$0xFFFFFC10];
	_ =	sdelay $0x1  }
0x5c: {  	v3 =	vld [tilespmem:s25+$0xFFFFFC90]  }
0x5d: {  	v4 =	vmul.f32 v0, v0;
	v5 =	vmul.f32 v1, v1  }
0x5e: {  	v50 =	vld [tilespmem:s25+$0xFFFFFD10];
	v49 =	vadd.f32 v1, v0  }
0x5f: {  	v4 =	vadd.f32 v5, v4;
	v5 =	vmul.f32 v2, v2  }
0x60: {  	v51 =	vld [tilespmem:s25+$0xFFFFFD90];
	v6 =	vadd.f32 v2, v49  }
0x61: {  	v4 =	vadd.f32 v5, v4;
	v5 =	vmul.f32 v3, v3  }
0x62: {  	v52 =	vld [tilespmem:s25+$0xFFFFFE10];
	v6 =	vadd.f32 v3, v6  }
0x63: {  	v4 =	vadd.f32 v5, v4;
	v5 =	vmul.f32 v50, v50  }
0x64: {  	v53 =	vld [tilespmem:s25+$0xFFFFFE90];
	v6 =	vadd.f32 v50, v6  }
0x65: {  	v11 =	vld [tilespmem:s25+$0xFFFFFF10];
	v4 =	vadd.f32 v5, v4;
	v5 =	vmul.f32 v51, v51  }
0x66: {  	v12 =	vld [tilespmem:s25+$0xFFFFFF90];
	v6 =	vadd.f32 v51, v6  }
0x67: {  	v54 =	vld [tilespmem:s25+$0x10];
	v4 =	vadd.f32 v5, v4;
	v5 =	vmul.f32 v52, v52  }
0x68: {  	v57 =	vld [tilespmem:s25+$0x190];
	v6 =	vadd.f32 v52, v6  }
0x69: {  	v59 =	vld [tilespmem:s25+$0x210];
	v13 =	vmax.f32 v0, v1;
	v4 =	vadd.f32 v5, v4;
	v5 =	vmul.f32 v53, v53  }
0x6a: {  	v0 =	vmin.f32 v0, v1;
	v1 =	vmax.f32 v13, v2;
	v6 =	vadd.f32 v53, v6  }
0x6b: {  	v0 =	vmin.f32 v0, v2;
	v2 =	vadd.f32 v5, v4;
	v4 =	vmul.f32 v11, v11  }
0x6c: {  	v1 =	vmax.f32 v1, v3;
	v0 =	vmin.f32 v0, v3;
	v3 =	vld [tilespmem:s25+$0x90];
	v5 =	vadd.f32 v11, v6  }
0x6d: {  	v55 =	vmul.f32 v12, v12;
	v56 =	vmul.f32 v54, v54;
	v2 =	vadd.f32 v4, v2  }
0x6e: {  	v62 =	vmul.f32 v57, v57;
	v17 =	vmul.f32 v59, v59;
	v4 =	vld [tilespmem:s25+$0x110];
	v5 =	vadd.f32 v12, v5  }
0x6f: {  	v1 =	vmax.f32 v1, v50;
	v0 =	vmin.f32 v0, v50;
	v2 =	vadd.f32 v55, v2  }
0x70: {  	v1 =	vmax.f32 v1, v51;
	v0 =	vmin.f32 v0, v51;
	v5 =	vadd.f32 v54, v5  }
0x71: {  	v0 =	vmin.f32 v0, v52;
	v58 =	vmul.f32 v3, v3;
	v2 =	vadd.f32 v56, v2  }
0x72: {  	v1 =	vmax.f32 v1, v52;
	v0 =	vmin.f32 v0, v53;
	v5 =	vadd.f32 v3, v5  }
0x73: {  	v61 =	vld [tilespmem:s25+$0x290];
	v1 =	vmax.f32 v1, v53;
	v60 =	vmul.f32 v4, v4;
	v2 =	vadd.f32 v58, v2  }
0x74: {  	v0 =	vmin.f32 v0, v11;
	v1 =	vmax.f32 v1, v11;
	v5 =	vadd.f32 v4, v5  }
0x75: {  	v0 =	vmin.f32 v0, v12;
	v1 =	vmax.f32 v1, v12;
	v2 =	vadd.f32 v60, v2  }
0x76: {  	v63 =	vld [tilespmem:s25+$0x310];
	v0 =	vmin.f32 v0, v54;
	v1 =	vmax.f32 v1, v54;
	v5 =	vadd.f32 v57, v5  }
0x77: {  	v0 =	vmin.f32 v0, v3;
	v1 =	vmax.f32 v1, v3;
	v2 =	vadd.f32 v62, v2  }
0x78: {  	v16 =	vld [tilespmem:s25+$0x390];
	v3 =	vmul.f32 v61, v61;
	v0 =	vmin.f32 v0, v4;
	v5 =	vadd.f32 v59, v5  }
0x79: {  	v1 =	vmax.f32 v1, v4;
	v0 =	vmin.f32 v0, v57;
	v2 =	vadd.f32 v17, v2  }
0x7a: {  	v18 =	vld [tilespmem:s25+$0x410];
	v1 =	vmax.f32 v1, v57;
	v0 =	vmin.f32 v0, v59;
	v4 =	vadd.f32 v61, v5  }
0x7b: {  	v1 =	vmax.f32 v1, v59;
	v2 =	vadd.f32 v3, v2;
	v3 =	vmul.f32 v63, v63  }
0x7c: {  	v0 =	vmin.f32 v0, v61;
	v1 =	vmax.f32 v1, v61;
	v5 =	vld [tilespmem:s25+$0x490];
	v4 =	vadd.f32 v63, v4  }
0x7d: {  	v0 =	vmin.f32 v0, v63;
	v2 =	vadd.f32 v3, v2;
	v3 =	vmul.f32 v16, v16  }
0x7e: {  	v1 =	vmax.f32 v1, v63;
	v0 =	vmin.f32 v0, v16;
	v4 =	vadd.f32 v16, v4  }
0x7f: {  	v1 =	vmax.f32 v1, v16;
	v2 =	vadd.f32 v3, v2;
	v3 =	vmul.f32 v18, v18  }
0x80: {  	v0 =	vmin.f32 v0, v18;
	v1 =	vmax.f32 v1, v18;
	v4 =	vadd.f32 v18, v4  }
0x81: {  	v0 =	vmin.f32 v0, v5;
	v2 =	vadd.f32 v3, v2;
	v3 =	vmul.f32 v5, v5  }
0x82: {  	[tilespmem:s26+$0x19810] =	vst v0;
	v0 =	vmax.f32 v1, v5;
	v1 =	vadd.f32 v5, v4  }
0x83: {  	[tilespmem:s26+$0x18810] =	vst v0;
	v0 =	vadd.f32 v3, v2  }
0x84: {  	[tilespmem:s26+$0x16810] =	vst v1  }
0x85: {  	[tilespmem:s26+$0x17810] =	vst v0  }
0x86: {  	v0 =	vld [tilespmem:s25+$0xFFFFFB20]  }
0x87: {  	v1 =	vld [tilespmem:s25+$0xFFFFFBA0];
	_ =	sdelay $0x1  }
0x88: {  	v2 =	vld [tilespmem:s25+$0xFFFFFC20];
	_ =	sdelay $0x1  }
0x89: {  	v3 =	vld [tilespmem:s25+$0xFFFFFCA0]  }
0x8a: {  	v4 =	vmul.f32 v0, v0;
	v5 =	vmul.f32 v1, v1  }
0x8b: {  	v19 =	vld [tilespmem:s25+$0xFFFFFD20];
	v20 =	vadd.f32 v1, v0  }
0x8c: {  	v4 =	vadd.f32 v5, v4;
	v5 =	vmul.f32 v2, v2  }
0x8d: {  	v21 =	vld [tilespmem:s25+$0xFFFFFDA0];
	v7 =	vadd.f32 v2, v20  }
0x8e: {  	v4 =	vadd.f32 v5, v4;
	v5 =	vmul.f32 v3, v3  }
0x8f: {  	v22 =	vld [tilespmem:s25+$0xFFFFFE20];
	v7 =	vadd.f32 v3, v7  }
0x90: {  	v4 =	vadd.f32 v5, v4;
	v5 =	vmul.f32 v19, v19  }
0x91: {  	v23 =	vld [tilespmem:s25+$0xFFFFFEA0];
	v7 =	vadd.f32 v19, v7  }
0x92: {  	v4 =	vadd.f32 v5, v4;
	v5 =	vmul.f32 v21, v21  }
0x93: {  	v24 =	vld [tilespmem:s25+$0xFFFFFF20];
	v7 =	vadd.f32 v21, v7  }
0x94: {  	v25 =	vld [tilespmem:s25+$0xFFFFFFA0];
	v4 =	vadd.f32 v5, v4;
	v5 =	vmul.f32 v22, v22  }
0x95: {  	v28 =	vld [tilespmem:s25+$0x120];
	v7 =	vadd.f32 v22, v7  }
0x96: {  	v29 =	vld [tilespmem:s25+$0x1A0];
	v26 =	vmax.f32 v0, v1;
	v4 =	vadd.f32 v5, v4;
	v5 =	vmul.f32 v23, v23  }
0x97: {  	v27 =	vld [tilespmem:s25+$0x20];
	v0 =	vmin.f32 v0, v1;
	v1 =	vmax.f32 v26, v2;
	v7 =	vadd.f32 v23, v7  }
0x98: {  	v0 =	vmin.f32 v0, v2;
	v2 =	vmul.f32 v24, v24;
	v4 =	vadd.f32 v5, v4  }
0x99: {  	v1 =	vmax.f32 v1, v3;
	v0 =	vmin.f32 v0, v3;
	v3 =	vld [tilespmem:s25+$0xA0];
	v5 =	vadd.f32 v24, v7  }
0x9a: {  	v31 =	vmul.f32 v28, v28;
	v2 =	vadd.f32 v2, v4;
	v4 =	vmul.f32 v25, v25  }
0x9b: {  	v32 =	vmul.f32 v29, v29;
	v1 =	vmax.f32 v1, v19;
	v5 =	vadd.f32 v25, v5  }
0x9c: {  	v0 =	vmin.f32 v0, v19;
	v2 =	vadd.f32 v4, v2;
	v4 =	vmul.f32 v27, v27  }
0x9d: {  	v1 =	vmax.f32 v1, v21;
	v0 =	vmin.f32 v0, v21;
	v5 =	vadd.f32 v27, v5  }
0x9e: {  	v30 =	vld [tilespmem:s25+$0x220];
	v1 =	vmax.f32 v1, v22;
	v2 =	vadd.f32 v4, v2;
	v4 =	vmul.f32 v3, v3  }
0x9f: {  	v33 =	vld [tilespmem:s25+$0x320];
	v0 =	vmin.f32 v0, v22;
	v1 =	vmax.f32 v1, v23;
	v5 =	vadd.f32 v3, v5  }
0xa0: {  	v34 =	vld [tilespmem:s25+$0x3A0];
	v0 =	vmin.f32 v0, v23;
	v1 =	vmax.f32 v1, v24;
	v2 =	vadd.f32 v4, v2  }
0xa1: {  	v0 =	vmin.f32 v0, v24;
	v1 =	vmax.f32 v1, v25;
	v4 =	vld [tilespmem:s25+$0x2A0];
	v5 =	vadd.f32 v28, v5  }
0xa2: {  	v0 =	vmin.f32 v0, v25;
	v1 =	vmax.f32 v1, v27;
	v2 =	vadd.f32 v31, v2  }
0xa3: {  	v0 =	vmin.f32 v0, v27;
	v1 =	vmax.f32 v1, v3;
	v5 =	vadd.f32 v29, v5  }
0xa4: {  	v0 =	vmin.f32 v0, v3;
	v3 =	vmul.f32 v30, v30;
	v2 =	vadd.f32 v32, v2  }
0xa5: {  	v37 =	vmul.f32 v33, v33;
	v38 =	vmul.f32 v34, v34;
	v5 =	vadd.f32 v30, v5  }
0xa6: {  	v35 =	vld [tilespmem:s25+$0x420];
	v0 =	vmin.f32 v0, v28;
	v36 =	vmul.f32 v4, v4;
	v2 =	vadd.f32 v3, v2  }
0xa7: {  	v1 =	vmax.f32 v1, v28;
	v0 =	vmin.f32 v0, v29;
	v3 =	vadd.f32 v4, v5  }
0xa8: {  	v1 =	vmax.f32 v1, v29;
	v0 =	vmin.f32 v0, v30;
	v2 =	vadd.f32 v36, v2  }
0xa9: {  	v1 =	vmax.f32 v1, v30;
	v0 =	vmin.f32 v0, v4;
	v5 =	vld [tilespmem:s25+$0x4A0];
	v3 =	vadd.f32 v33, v3  }
0xaa: {  	v1 =	vmax.f32 v1, v4;
	v0 =	vmin.f32 v0, v33;
	v2 =	vadd.f32 v37, v2  }
0xab: {  	v1 =	vmax.f32 v1, v33;
	v4 =	vmul.f32 v35, v35;
	v3 =	vadd.f32 v34, v3  }
0xac: {  	v0 =	vmin.f32 v0, v34;
	v1 =	vmax.f32 v1, v34;
	v2 =	vadd.f32 v38, v2  }
0xad: {  	v0 =	vmin.f32 v0, v35;
	v1 =	vmax.f32 v1, v35;
	v3 =	vadd.f32 v35, v3  }
0xae: {  	v0 =	vmin.f32 v0, v5;
	v2 =	vadd.f32 v4, v2;
	v4 =	vmul.f32 v5, v5  }
0xaf: {  	[tilespmem:s26+$0x19820] =	vst v0;
	v0 =	vmax.f32 v1, v5;
	v1 =	vadd.f32 v5, v3  }
0xb0: {  	[tilespmem:s26+$0x18820] =	vst v0;
	v0 =	vadd.f32 v4, v2  }
0xb1: {  	[tilespmem:s26+$0x16820] =	vst v1  }
0xb2: {  	[tilespmem:s26+$0x17820] =	vst v0  }
0xb3: {  	v0 =	vld [tilespmem:s25+$0xFFFFFB30]  }
0xb4: {  	v1 =	vld [tilespmem:s25+$0xFFFFFBB0];
	_ =	sdelay $0x1  }
0xb5: {  	v2 =	vld [tilespmem:s25+$0xFFFFFC30]  }
0xb6: {  	v3 =	vld [tilespmem:s25+$0xFFFFFCB0];
	_ =	sdelay $0x1  }
0xb7: {  	v40 =	vld [tilespmem:s25+$0xFFFFFD30];
	v4 =	vmul.f32 v0, v0;
	v5 =	vadd.f32 v1, v0;
	v39 =	vmul.f32 v1, v1  }
0xb8: {  	v41 =	vmax.f32 v0, v1;
	v0 =	vmin.f32 v0, v1  }
0xb9: {  	v1 =	vld [tilespmem:s25+$0xFFFFFDB0];
	v42 =	vmul.f32 v2, v2;
	v4 =	vadd.f32 v39, v4;
	v5 =	vadd.f32 v2, v5  }
0xba: {  	v43 =	vmul.f32 v3, v3;
	v8 =	vmax.f32 v41, v2  }
0xbb: {  	v0 =	vmin.f32 v0, v2;
	v2 =	vld [tilespmem:s25+$0xFFFFFE30];
	v4 =	vadd.f32 v42, v4;
	v5 =	vadd.f32 v3, v5  }
0xbc: {  	v44 =	vld [tilespmem:s25+$0xFFFFFEB0];
	v45 =	vmul.f32 v40, v40;
	v8 =	vmax.f32 v8, v3  }
0xbd: {  	v0 =	vmin.f32 v0, v3;
	v3 =	vld [tilespmem:s25+$0xFFFFFF30];
	v4 =	vadd.f32 v43, v4;
	v5 =	vadd.f32 v40, v5  }
0xbe: {  	v8 =	vmax.f32 v8, v40;
	v0 =	vmin.f32 v0, v40;
	v47 =	vmul.f32 v1, v1  }
0xbf: {  	v46 =	vld [tilespmem:s25+$0xFFFFFFB0];
	v8 =	vmax.f32 v8, v1;
	v4 =	vadd.f32 v45, v4;
	v5 =	vadd.f32 v1, v5  }
0xc0: {  	v48 =	vld [tilespmem:s25+$0x30];
	v0 =	vmin.f32 v0, v1;
	v8 =	vmax.f32 v8, v2;
	v1 =	vmul.f32 v2, v2  }
0xc1: {  	v49 =	vld [tilespmem:s25+$0xB0];
	v8 =	vmax.f32 v8, v44;
	v4 =	vadd.f32 v47, v4;
	v5 =	vadd.f32 v2, v5  }
0xc2: {  	v0 =	vmin.f32 v0, v2;
	v50 =	vmax.f32 v8, v3  }
0xc3: {  	v2 =	vmul.f32 v44, v44;
	v1 =	vadd.f32 v1, v4;
	v4 =	vadd.f32 v44, v5  }
0xc4: {  	v53 =	vmul.f32 v3, v3;
	v7 =	vmax.f32 v50, v46  }
0xc5: {  	v5 =	vmax.f32 v7, v48;
	v1 =	vadd.f32 v2, v1;
	v2 =	vadd.f32 v3, v4  }
0xc6: {  	v0 =	vmin.f32 v0, v44;
	v4 =	vmax.f32 v5, v49  }
0xc7: {  	v51 =	vld [tilespmem:s25+$0x130];
	v5 =	vmul.f32 v46, v46;
	v1 =	vadd.f32 v53, v1;
	v2 =	vadd.f32 v46, v2  }
0xc8: {  	v0 =	vmin.f32 v0, v3  }
0xc9: {  	v52 =	vld [tilespmem:s25+$0x1B0];
	v1 =	vadd.f32 v5, v1;
	v2 =	vadd.f32 v48, v2;
	v5 =	vmul.f32 v48, v48  }
0xca: {  	v56 =	vmul.f32 v49, v49;
	v0 =	vmin.f32 v0, v46;
	v3 =	vld [tilespmem:s25+$0x230]  }
0xcb: {  	v54 =	vld [tilespmem:s25+$0x2B0];
	v0 =	vmin.f32 v0, v48;
	v1 =	vadd.f32 v5, v1;
	v2 =	vadd.f32 v49, v2  }
0xcc: {  	v55 =	vld [tilespmem:s25+$0x330];
	v57 =	vmul.f32 v51, v51;
	v0 =	vmin.f32 v0, v49  }
0xcd: {  	v4 =	vmax.f32 v4, v51;
	v5 =	vld [tilespmem:s25+$0x3B0];
	v1 =	vadd.f32 v56, v1;
	v2 =	vadd.f32 v51, v2  }
0xce: {  	v59 =	vmul.f32 v52, v52;
	v0 =	vmin.f32 v0, v51;
	v4 =	vmax.f32 v4, v52  }
0xcf: {  	v58 =	vld [tilespmem:s25+$0x430];
	v4 =	vmax.f32 v4, v3;
	v1 =	vadd.f32 v57, v1;
	v2 =	vadd.f32 v52, v2  }
0xd0: {  	v6 =	vmin.f32 v0, v52;
	v60 =	vmul.f32 v3, v3;
	v4 =	vmax.f32 v4, v54  }
0xd1: {  	v0 =	vld [tilespmem:s25+$0x4B0];
	v4 =	vmax.f32 v4, v55;
	v1 =	vadd.f32 v59, v1;
	v2 =	vadd.f32 v3, v2  }
0xd2: {  	v61 =	vmul.f32 v54, v54;
	v6 =	vmin.f32 v6, v3;
	v3 =	vmax.f32 v4, v5  }
0xd3: {  	v4 =	vmin.f32 v6, v54;
	v1 =	vadd.f32 v60, v1;
	v2 =	vadd.f32 v54, v2  }
0xd4: {  	v62 =	vmul.f32 v55, v55;
	v4 =	vmin.f32 v4, v55;
	v3 =	vmax.f32 v3, v58  }
0xd5: {  	v4 =	vmin.f32 v4, v5;
	v1 =	vadd.f32 v61, v1;
	v2 =	vadd.f32 v55, v2  }
0xd6: {  	v3 =	vmax.f32 v3, v0;
	v4 =	vmin.f32 v4, v58  }
0xd7: {  	v1 =	vadd.f32 v62, v1;
	v63 =	vadd.f32 v5, v2;
	v2 =	vmul.f32 v5, v5  }
0xd8: {  	[tilespmem:s26+$0x18830] =	vst v3;
	v3 =	vmin.f32 v4, v0  }
0xd9: {  	s28 =	simm.s32 $0x200;
	[tilespmem:s26+$0x19830] =	vst v3;
	v3 =	vmul.f32 v58, v58;
	v2 =	vadd.f32 v2, v1;
	v1 =	vadd.f32 v58, v63  }
.LBB2_3:
0xda: {  	p0 =	sne.s32 s28, $0x3E00  }
0xdb: {  	s25 =	sadd.s32 $0xA00, s25;
	s29 =	smov.u32 s28;
	s28 =	sadd.s32 $0x200, s28  }
0xdc: {  	v2 =	vadd.f32 v3, v2;
	v1 =	vadd.f32 v0, v1;
	v0 =	vmul.f32 v0, v0;
	_ =	sdelay $0x1  }
0xdd: {  	v0 =	vadd.f32 v0, v2;
	[tilespmem:s26+$0x16830] =	vst v1;
	_ =	sdelay $0x1  }
0xde: {  	[tilespmem:s26+$0x17830] =	vst v0  }
0xdf: {  	v0 =	vld [tilespmem:s25+$0xFFFFFB00]  }
0xe0: {  	v1 =	vld [tilespmem:s25+$0xFFFFFB80];
	_ =	sdelay $0x1  }
0xe1: {  	v2 =	vld [tilespmem:s25+$0xFFFFFC00];
	_ =	sdelay $0x1  }
0xe2: {  	v3 =	vld [tilespmem:s25+$0xFFFFFC80]  }
0xe3: {  	v4 =	vmul.f32 v0, v0;
	v5 =	vadd.f32 v1, v0;
	v6 =	vmul.f32 v1, v1  }
0xe4: {  	v7 =	vmax.f32 v0, v1;
	v0 =	vmin.f32 v0, v1;
	v1 =	vld [tilespmem:s25+$0xFFFFFD00]  }
0xe5: {  	v4 =	vadd.f32 v6, v4;
	v5 =	vadd.f32 v2, v5;
	v6 =	vmul.f32 v2, v2  }
0xe6: {  	v7 =	vmax.f32 v7, v2;
	v0 =	vmin.f32 v0, v2;
	v2 =	vld [tilespmem:s25+$0xFFFFFD80]  }
0xe7: {  	v4 =	vadd.f32 v6, v4;
	v5 =	vadd.f32 v3, v5;
	v6 =	vmul.f32 v3, v3  }
0xe8: {  	v7 =	vmax.f32 v7, v3;
	v0 =	vmin.f32 v0, v3;
	v3 =	vld [tilespmem:s25+$0xFFFFFE00]  }
0xe9: {  	v4 =	vadd.f32 v6, v4;
	v5 =	vadd.f32 v1, v5;
	v6 =	vmul.f32 v1, v1  }
0xea: {  	v7 =	vmax.f32 v7, v1;
	v0 =	vmin.f32 v0, v1;
	v1 =	vld [tilespmem:s25+$0xFFFFFE80]  }
0xeb: {  	v4 =	vadd.f32 v6, v4;
	v5 =	vadd.f32 v2, v5;
	v6 =	vmul.f32 v2, v2;
	v8 =	vld [tilespmem:s25+$0xFFFFFF00]  }
0xec: {  	v7 =	vmax.f32 v7, v2;
	v0 =	vmin.f32 v0, v2  }
0xed: {  	v2 =	vadd.f32 v6, v4;
	v4 =	vadd.f32 v3, v5;
	v5 =	vmul.f32 v3, v3;
	v6 =	vld [tilespmem:s25+$0xFFFFFF80]  }
0xee: {  	v7 =	vmax.f32 v7, v3;
	v0 =	vmin.f32 v0, v3;
	v3 =	vld [tilespmem:s25+$0x0]  }
0xef: {  	v2 =	vadd.f32 v5, v2;
	v4 =	vadd.f32 v1, v4;
	v5 =	vmul.f32 v1, v1;
	v9 =	vld [tilespmem:s25+$0x80]  }
0xf0: {  	v7 =	vmax.f32 v7, v1;
	v0 =	vmin.f32 v0, v1;
	v1 =	vmul.f32 v8, v8;
	v10 =	vld [tilespmem:s25+$0x100]  }
0xf1: {  	v0 =	vmin.f32 v0, v8;
	v2 =	vadd.f32 v5, v2;
	v4 =	vadd.f32 v8, v4;
	v5 =	vld [tilespmem:s25+$0x180]  }
0xf2: {  	v7 =	vmax.f32 v7, v8;
	v8 =	vmul.f32 v6, v6;
	v0 =	vmin.f32 v0, v6;
	v11 =	vld [tilespmem:s25+$0x200]  }
0xf3: {  	v1 =	vadd.f32 v1, v2;
	v2 =	vadd.f32 v6, v4;
	v0 =	vmin.f32 v0, v3;
	v4 =	vld [tilespmem:s25+$0x280]  }
0xf4: {  	v6 =	vmax.f32 v7, v6;
	v7 =	vmul.f32 v3, v3;
	v0 =	vmin.f32 v0, v9;
	v12 =	vld [tilespmem:s25+$0x300]  }
0xf5: {  	v1 =	vadd.f32 v8, v1;
	v2 =	vadd.f32 v3, v2;
	v0 =	vmin.f32 v0, v10;
	v8 =	vld [tilespmem:s25+$0x380]  }
0xf6: {  	v3 =	vmax.f32 v6, v3;
	v6 =	vmul.f32 v9, v9;
	v0 =	vmin.f32 v0, v5;
	v13 =	vld [tilespmem:s25+$0x400]  }
0xf7: {  	v1 =	vadd.f32 v7, v1;
	v2 =	vadd.f32 v9, v2;
	v0 =	vmin.f32 v0, v11;
	v7 =	vld [tilespmem:s25+$0x480]  }
0xf8: {  	v3 =	vmax.f32 v3, v9;
	v9 =	vmul.f32 v10, v10;
	v0 =	vmin.f32 v0, v4  }
0xf9: {  	v1 =	vadd.f32 v6, v1;
	v2 =	vadd.f32 v10, v2;
	v0 =	vmin.f32 v0, v12  }
0xfa: {  	v3 =	vmax.f32 v3, v10;
	v6 =	vmul.f32 v5, v5;
	v0 =	vmin.f32 v0, v8  }
0xfb: {  	v1 =	vadd.f32 v9, v1;
	v2 =	vadd.f32 v5, v2;
	v0 =	vmin.f32 v0, v13  }
0xfc: {  	v3 =	vmax.f32 v3, v5;
	v5 =	vmul.f32 v11, v11;
	v0 =	vmin.f32 v0, v7  }
0xfd: {  	v3 =	vmax.f32 v3, v11;
	v1 =	vadd.f32 v6, v1;
	v2 =	vadd.f32 v11, v2  }
0xfe: {  	v3 =	vmax.f32 v3, v4;
	v6 =	vmul.f32 v4, v4  }
0xff: {  	v3 =	vmax.f32 v3, v12;
	v1 =	vadd.f32 v5, v1;
	v2 =	vadd.f32 v4, v2  }
0x100: {  	v3 =	vmax.f32 v3, v8;
	v4 =	vmul.f32 v12, v12  }
0x101: {  	v3 =	vmax.f32 v3, v13;
	v1 =	vadd.f32 v6, v1;
	v2 =	vadd.f32 v12, v2  }
0x102: {  	v3 =	vmax.f32 v3, v7  }
0x103: {  	v1 =	vadd.f32 v4, v1;
	v2 =	vadd.f32 v8, v2;
	v4 =	vmul.f32 v8, v8;
	_ =	sdelay $0x1  }
0x104: {  	v1 =	vadd.f32 v4, v1;
	v2 =	vadd.f32 v13, v2;
	v4 =	vmul.f32 v13, v13;
	_ =	sdelay $0x1  }
0x105: {  	s26 =	sshra.s32 s29, $0x2;
	v1 =	vadd.f32 v4, v1;
	v2 =	vadd.f32 v7, v2;
	v4 =	vmul.f32 v7, v7  }
0x106: {  	[tilespmem:s26+$0x19800] =	vst v0  }
0x107: {  	v0 =	vadd.f32 v4, v1;
	[tilespmem:s26+$0x16800] =	vst v2  }
0x108: {  	[tilespmem:s26+$0x18800] =	vst v3  }
0x109: {  	[tilespmem:s26+$0x17800] =	vst v0  }
0x10a: {  	v0 =	vld [tilespmem:s25+$0xFFFFFB10]  }
0x10b: {  	v1 =	vld [tilespmem:s25+$0xFFFFFB90];
	_ =	sdelay $0x1  }
0x10c: {  	v2 =	vld [tilespmem:s25+$0xFFFFFC10];
	_ =	sdelay $0x1  }
0x10d: {  	v3 =	vmul.f32 v0, v0;
	v4 =	vld [tilespmem:s25+$0xFFFFFC90]  }
0x10e: {  	v5 =	vadd.f32 v1, v0;
	v6 =	vmul.f32 v1, v1;
	v7 =	vmin.f32 v0, v1  }
0x10f: {  	v0 =	vmax.f32 v0, v1;
	v1 =	vld [tilespmem:s25+$0xFFFFFD10]  }
0x110: {  	v3 =	vadd.f32 v6, v3;
	v5 =	vadd.f32 v2, v5;
	v6 =	vmul.f32 v2, v2  }
0x111: {  	v0 =	vmax.f32 v0, v2;
	v2 =	vmin.f32 v7, v2;
	v7 =	vld [tilespmem:s25+$0xFFFFFD90]  }
0x112: {  	v3 =	vadd.f32 v6, v3;
	v5 =	vadd.f32 v4, v5;
	v6 =	vmul.f32 v4, v4  }
0x113: {  	v0 =	vmax.f32 v0, v4;
	v2 =	vmin.f32 v2, v4;
	v4 =	vld [tilespmem:s25+$0xFFFFFE10]  }
0x114: {  	v3 =	vadd.f32 v6, v3;
	v5 =	vadd.f32 v1, v5;
	v6 =	vmul.f32 v1, v1  }
0x115: {  	v0 =	vmax.f32 v0, v1;
	v1 =	vmin.f32 v2, v1;
	v2 =	vld [tilespmem:s25+$0xFFFFFE90]  }
0x116: {  	v3 =	vadd.f32 v6, v3;
	v5 =	vadd.f32 v7, v5;
	v6 =	vmul.f32 v7, v7  }
0x117: {  	v0 =	vmax.f32 v0, v7;
	v1 =	vmin.f32 v1, v7;
	v7 =	vld [tilespmem:s25+$0xFFFFFF10]  }
0x118: {  	v3 =	vadd.f32 v6, v3;
	v5 =	vadd.f32 v4, v5;
	v6 =	vmul.f32 v4, v4;
	v8 =	vld [tilespmem:s25+$0xFFFFFF90]  }
0x119: {  	v0 =	vmax.f32 v0, v4;
	v1 =	vmin.f32 v1, v4;
	v4 =	vld [tilespmem:s25+$0x10]  }
0x11a: {  	v3 =	vadd.f32 v6, v3;
	v5 =	vadd.f32 v2, v5;
	v6 =	vmul.f32 v2, v2;
	v9 =	vld [tilespmem:s25+$0x90]  }
0x11b: {  	v0 =	vmax.f32 v0, v2;
	v1 =	vmin.f32 v1, v2;
	v2 =	vld [tilespmem:s25+$0x110]  }
0x11c: {  	v3 =	vadd.f32 v6, v3;
	v5 =	vadd.f32 v7, v5;
	v1 =	vmin.f32 v1, v7;
	v6 =	vld [tilespmem:s25+$0x190]  }
0x11d: {  	v0 =	vmax.f32 v0, v7;
	v10 =	vmul.f32 v8, v8;
	v1 =	vmin.f32 v1, v8;
	v11 =	vld [tilespmem:s25+$0x210]  }
0x11e: {  	v7 =	vmul.f32 v7, v7;
	v5 =	vadd.f32 v8, v5;
	v1 =	vmin.f32 v1, v4;
	v12 =	vld [tilespmem:s25+$0x290]  }
0x11f: {  	v0 =	vmax.f32 v0, v8;
	v8 =	vmul.f32 v9, v9;
	v1 =	vmin.f32 v1, v9;
	v13 =	vld [tilespmem:s25+$0x310]  }
0x120: {  	v3 =	vadd.f32 v7, v3;
	v5 =	vadd.f32 v4, v5;
	v1 =	vmin.f32 v1, v2;
	v7 =	vld [tilespmem:s25+$0x390]  }
0x121: {  	v0 =	vmax.f32 v0, v4;
	v14 =	vmul.f32 v2, v2;
	v1 =	vmin.f32 v1, v6;
	v15 =	vld [tilespmem:s25+$0x410]  }
0x122: {  	v3 =	vadd.f32 v10, v3;
	v4 =	vmul.f32 v4, v4;
	v1 =	vmin.f32 v1, v11;
	v10 =	vld [tilespmem:s25+$0x490]  }
0x123: {  	v0 =	vmax.f32 v0, v9;
	v5 =	vadd.f32 v9, v5;
	v1 =	vmin.f32 v1, v12  }
0x124: {  	v0 =	vmax.f32 v0, v2;
	v3 =	vadd.f32 v4, v3;
	v1 =	vmin.f32 v1, v13  }
0x125: {  	v0 =	vmax.f32 v0, v6;
	v2 =	vadd.f32 v2, v5;
	v1 =	vmin.f32 v1, v7  }
0x126: {  	v0 =	vmax.f32 v0, v11;
	v3 =	vadd.f32 v8, v3;
	v1 =	vmin.f32 v1, v15  }
0x127: {  	v0 =	vmax.f32 v0, v12;
	v2 =	vadd.f32 v6, v2;
	v1 =	vmin.f32 v1, v10  }
0x128: {  	v4 =	vmul.f32 v6, v6;
	v0 =	vmax.f32 v0, v13;
	v3 =	vadd.f32 v14, v3;
	[tilespmem:s26+$0x19810] =	vst v1  }
0x129: {  	v0 =	vmax.f32 v0, v7;
	v1 =	vadd.f32 v11, v2  }
0x12a: {  	v0 =	vmax.f32 v0, v15;
	v2 =	vadd.f32 v4, v3;
	v3 =	vmul.f32 v11, v11  }
0x12b: {  	v0 =	vmax.f32 v0, v10;
	v1 =	vadd.f32 v12, v1  }
0x12c: {  	v2 =	vadd.f32 v3, v2;
	v3 =	vmul.f32 v12, v12;
	[tilespmem:s26+$0x18810] =	vst v0  }
0x12d: {  	v0 =	vadd.f32 v13, v1  }
0x12e: {  	v1 =	vadd.f32 v3, v2;
	v2 =	vmul.f32 v13, v13  }
0x12f: {  	v0 =	vadd.f32 v7, v0  }
0x130: {  	v1 =	vadd.f32 v2, v1;
	v2 =	vmul.f32 v7, v7  }
0x131: {  	v0 =	vadd.f32 v15, v0  }
0x132: {  	v1 =	vadd.f32 v2, v1;
	v2 =	vmul.f32 v15, v15  }
0x133: {  	v0 =	vadd.f32 v10, v0  }
0x134: {  	v1 =	vadd.f32 v2, v1;
	v2 =	vmul.f32 v10, v10  }
0x135: {  	[tilespmem:s26+$0x16810] =	vst v0  }
0x136: {  	v0 =	vadd.f32 v2, v1;
	_ =	sdelay $0x1  }
0x137: {  	[tilespmem:s26+$0x17810] =	vst v0  }
0x138: {  	v0 =	vld [tilespmem:s25+$0xFFFFFB20]  }
0x139: {  	v1 =	vld [tilespmem:s25+$0xFFFFFBA0]  }
0x13a: {  	v2 =	vld [tilespmem:s25+$0xFFFFFC20]  }
0x13b: {  	v3 =	vld [tilespmem:s25+$0xFFFFFCA0]  }
0x13c: {  	v4 =	vld [tilespmem:s25+$0xFFFFFD20]  }
0x13d: {  	v5 =	vmul.f32 v0, v0;
	v6 =	vld [tilespmem:s25+$0xFFFFFDA0]  }
0x13e: {  	v7 =	vadd.f32 v1, v0;
	v8 =	vmul.f32 v1, v1;
	v9 =	vmax.f32 v0, v1;
	v10 =	vld [tilespmem:s25+$0xFFFFFE20]  }
0x13f: {  	v0 =	vmin.f32 v0, v1;
	v1 =	vmax.f32 v9, v2;
	v9 =	vld [tilespmem:s25+$0xFFFFFEA0]  }
0x140: {  	v5 =	vadd.f32 v8, v5;
	v7 =	vadd.f32 v2, v7;
	v8 =	vmul.f32 v2, v2;
	v11 =	vld [tilespmem:s25+$0xFFFFFF20]  }
0x141: {  	v0 =	vmin.f32 v0, v2;
	v1 =	vmax.f32 v1, v3;
	v2 =	vld [tilespmem:s25+$0xFFFFFFA0]  }
0x142: {  	v5 =	vadd.f32 v8, v5;
	v7 =	vadd.f32 v3, v7;
	v8 =	vmul.f32 v3, v3;
	v12 =	vld [tilespmem:s25+$0x20]  }
0x143: {  	v0 =	vmin.f32 v0, v3;
	v1 =	vmax.f32 v1, v4;
	v3 =	vld [tilespmem:s25+$0xA0]  }
0x144: {  	v5 =	vadd.f32 v8, v5;
	v7 =	vadd.f32 v4, v7;
	v8 =	vmul.f32 v4, v4  }
0x145: {  	v0 =	vmin.f32 v0, v4;
	v1 =	vmax.f32 v1, v6  }
0x146: {  	v4 =	vadd.f32 v8, v5;
	v5 =	vadd.f32 v6, v7;
	v7 =	vmul.f32 v6, v6  }
0x147: {  	v0 =	vmin.f32 v0, v6;
	v1 =	vmax.f32 v1, v10  }
0x148: {  	v6 =	vmul.f32 v10, v10;
	v4 =	vadd.f32 v7, v4;
	v5 =	vadd.f32 v10, v5  }
0x149: {  	v0 =	vmin.f32 v0, v10;
	v1 =	vmax.f32 v1, v9  }
0x14a: {  	v4 =	vadd.f32 v6, v4;
	v5 =	vadd.f32 v9, v5;
	v6 =	vmul.f32 v9, v9  }
0x14b: {  	v0 =	vmin.f32 v0, v9;
	v1 =	vmax.f32 v1, v11;
	v7 =	vmul.f32 v11, v11  }
0x14c: {  	v0 =	vmin.f32 v0, v11;
	v4 =	vadd.f32 v6, v4;
	v5 =	vadd.f32 v11, v5  }
0x14d: {  	v1 =	vmax.f32 v1, v2;
	v0 =	vmin.f32 v0, v2  }
0x14e: {  	v4 =	vadd.f32 v7, v4;
	v5 =	vadd.f32 v2, v5;
	v2 =	vmul.f32 v2, v2;
	v6 =	vld [tilespmem:s25+$0x120]  }
0x14f: {  	v1 =	vmax.f32 v1, v12;
	v0 =	vmin.f32 v0, v12;
	v7 =	vld [tilespmem:s25+$0x1A0]  }
0x150: {  	v2 =	vadd.f32 v2, v4;
	v4 =	vadd.f32 v12, v5;
	v5 =	vmul.f32 v12, v12;
	v8 =	vld [tilespmem:s25+$0x220]  }
0x151: {  	v1 =	vmax.f32 v1, v3;
	v0 =	vmin.f32 v0, v3;
	v9 =	vld [tilespmem:s25+$0x2A0]  }
0x152: {  	v2 =	vadd.f32 v5, v2;
	v4 =	vadd.f32 v3, v4;
	v3 =	vmul.f32 v3, v3;
	v5 =	vld [tilespmem:s25+$0x320]  }
0x153: {  	v10 =	vmul.f32 v6, v6;
	v1 =	vmax.f32 v1, v6;
	v0 =	vmin.f32 v0, v6;
	v11 =	vld [tilespmem:s25+$0x3A0]  }
0x154: {  	v2 =	vadd.f32 v3, v2;
	v3 =	vadd.f32 v6, v4;
	v0 =	vmin.f32 v0, v7;
	v4 =	vld [tilespmem:s25+$0x420]  }
0x155: {  	v6 =	vmul.f32 v7, v7;
	v1 =	vmax.f32 v1, v7;
	v0 =	vmin.f32 v0, v8;
	v12 =	vld [tilespmem:s25+$0x4A0]  }
0x156: {  	v2 =	vadd.f32 v10, v2;
	v3 =	vadd.f32 v7, v3;
	v0 =	vmin.f32 v0, v9  }
0x157: {  	v1 =	vmax.f32 v1, v8;
	v7 =	vmul.f32 v8, v8;
	v0 =	vmin.f32 v0, v5  }
0x158: {  	v2 =	vadd.f32 v6, v2;
	v3 =	vadd.f32 v8, v3;
	v0 =	vmin.f32 v0, v11  }
0x159: {  	v1 =	vmax.f32 v1, v9;
	v6 =	vmul.f32 v9, v9;
	v0 =	vmin.f32 v0, v4  }
0x15a: {  	v2 =	vadd.f32 v7, v2;
	v3 =	vadd.f32 v9, v3;
	v0 =	vmin.f32 v0, v12  }
0x15b: {  	v1 =	vmax.f32 v1, v5;
	v7 =	vmul.f32 v5, v5;
	[tilespmem:s26+$0x19820] =	vst v0  }
0x15c: {  	v1 =	vmax.f32 v1, v11;
	v0 =	vadd.f32 v6, v2;
	v2 =	vadd.f32 v5, v3  }
0x15d: {  	v1 =	vmax.f32 v1, v4;
	v3 =	vmul.f32 v11, v11  }
0x15e: {  	v1 =	vmax.f32 v1, v12;
	v0 =	vadd.f32 v7, v0;
	v2 =	vadd.f32 v11, v2  }
0x15f: {  	[tilespmem:s26+$0x18820] =	vst v1  }
0x160: {  	v0 =	vadd.f32 v3, v0;
	v1 =	vadd.f32 v4, v2;
	v2 =	vmul.f32 v4, v4;
	_ =	sdelay $0x1  }
0x161: {  	v0 =	vadd.f32 v2, v0;
	v1 =	vadd.f32 v12, v1;
	v2 =	vmul.f32 v12, v12;
	_ =	sdelay $0x1  }
0x162: {  	v0 =	vadd.f32 v2, v0;
	[tilespmem:s26+$0x16820] =	vst v1;
	_ =	sdelay $0x1  }
0x163: {  	[tilespmem:s26+$0x17820] =	vst v0  }
0x164: {  	v0 =	vld [tilespmem:s25+$0xFFFFFB30]  }
0x165: {  	v1 =	vld [tilespmem:s25+$0xFFFFFBB0]  }
0x166: {  	v2 =	vld [tilespmem:s25+$0xFFFFFC30]  }
0x167: {  	v3 =	vld [tilespmem:s25+$0xFFFFFCB0]  }
0x168: {  	v4 =	vld [tilespmem:s25+$0xFFFFFD30]  }
0x169: {  	v5 =	vld [tilespmem:s25+$0xFFFFFDB0]  }
0x16a: {  	v6 =	vmul.f32 v0, v0;
	v7 =	vadd.f32 v1, v0;
	v8 =	vmul.f32 v1, v1;
	v9 =	vld [tilespmem:s25+$0xFFFFFE30]  }
0x16b: {  	v10 =	vmax.f32 v0, v1;
	v0 =	vmin.f32 v0, v1;
	v1 =	vld [tilespmem:s25+$0xFFFFFEB0]  }
0x16c: {  	v6 =	vadd.f32 v8, v6;
	v7 =	vadd.f32 v2, v7;
	v8 =	vmul.f32 v2, v2;
	v11 =	vld [tilespmem:s25+$0xFFFFFF30]  }
0x16d: {  	v10 =	vmax.f32 v10, v2;
	v0 =	vmin.f32 v0, v2;
	v2 =	vmul.f32 v3, v3;
	v12 =	vld [tilespmem:s25+$0xFFFFFFB0]  }
0x16e: {  	v6 =	vadd.f32 v8, v6;
	v7 =	vadd.f32 v3, v7;
	v8 =	vmax.f32 v10, v3;
	v10 =	vld [tilespmem:s25+$0x30]  }
0x16f: {  	v0 =	vmin.f32 v0, v3;
	v3 =	vmax.f32 v8, v4;
	v8 =	vld [tilespmem:s25+$0xB0]  }
0x170: {  	v2 =	vadd.f32 v2, v6;
	v6 =	vadd.f32 v4, v7;
	v7 =	vmul.f32 v4, v4;
	v13 =	vld [tilespmem:s25+$0x130]  }
0x171: {  	v0 =	vmin.f32 v0, v4;
	v4 =	vmul.f32 v5, v5;
	v3 =	vmax.f32 v3, v5;
	v14 =	vld [tilespmem:s25+$0x1B0]  }
0x172: {  	v3 =	vmax.f32 v3, v9;
	v2 =	vadd.f32 v7, v2;
	v6 =	vadd.f32 v5, v6;
	v7 =	vld [tilespmem:s25+$0x230]  }
0x173: {  	v0 =	vmin.f32 v0, v5;
	v5 =	vmul.f32 v9, v9;
	v3 =	vmax.f32 v3, v1;
	v15 =	vld [tilespmem:s25+$0x2B0]  }
0x174: {  	v3 =	vmax.f32 v3, v11;
	v2 =	vadd.f32 v4, v2;
	v4 =	vadd.f32 v9, v6;
	v6 =	vld [tilespmem:s25+$0x330]  }
0x175: {  	v0 =	vmin.f32 v0, v9;
	v9 =	vmul.f32 v1, v1;
	v3 =	vmax.f32 v3, v12;
	v16 =	vld [tilespmem:s25+$0x3B0]  }
0x176: {  	v3 =	vmax.f32 v3, v10;
	v2 =	vadd.f32 v5, v2;
	v4 =	vadd.f32 v1, v4;
	v5 =	vld [tilespmem:s25+$0x430]  }
0x177: {  	v17 =	vmul.f32 v11, v11;
	v1 =	vmin.f32 v0, v1;
	v3 =	vmax.f32 v3, v8;
	v0 =	vld [tilespmem:s25+$0x4B0]  }
0x178: {  	v3 =	vmax.f32 v3, v13;
	v2 =	vadd.f32 v9, v2;
	v4 =	vadd.f32 v11, v4  }
0x179: {  	v1 =	vmin.f32 v1, v11;
	v3 =	vmax.f32 v3, v14  }
0x17a: {  	v9 =	vmul.f32 v12, v12;
	v2 =	vadd.f32 v17, v2;
	v4 =	vadd.f32 v12, v4  }
0x17b: {  	v1 =	vmin.f32 v1, v12;
	v3 =	vmax.f32 v3, v7  }
0x17c: {  	v2 =	vadd.f32 v9, v2;
	v4 =	vadd.f32 v10, v4;
	v9 =	vmul.f32 v10, v10  }
0x17d: {  	v1 =	vmin.f32 v1, v10;
	v3 =	vmax.f32 v3, v15;
	v10 =	vmul.f32 v8, v8  }
0x17e: {  	v3 =	vmax.f32 v3, v6;
	v2 =	vadd.f32 v9, v2;
	v4 =	vadd.f32 v8, v4  }
0x17f: {  	v1 =	vmin.f32 v1, v8;
	v3 =	vmax.f32 v3, v16;
	v8 =	vmul.f32 v13, v13  }
0x180: {  	v3 =	vmax.f32 v3, v5;
	v2 =	vadd.f32 v10, v2;
	v4 =	vadd.f32 v13, v4  }
0x181: {  	v1 =	vmin.f32 v1, v13;
	v9 =	vmul.f32 v14, v14;
	v3 =	vmax.f32 v3, v0  }
0x182: {  	v1 =	vmin.f32 v1, v14;
	v2 =	vadd.f32 v8, v2;
	v4 =	vadd.f32 v14, v4;
	[tilespmem:s26+$0x18830] =	vst v3  }
0x183: {  	v1 =	vmin.f32 v1, v7;
	v3 =	vmul.f32 v7, v7  }
0x184: {  	v1 =	vmin.f32 v1, v15;
	v2 =	vadd.f32 v9, v2;
	v4 =	vadd.f32 v7, v4  }
0x185: {  	v1 =	vmin.f32 v1, v6;
	v7 =	vmul.f32 v15, v15  }
0x186: {  	v1 =	vmin.f32 v1, v16;
	v2 =	vadd.f32 v3, v2;
	v3 =	vadd.f32 v15, v4  }
0x187: {  	v1 =	vmin.f32 v1, v5;
	v4 =	vmul.f32 v6, v6  }
.Ltmp0:
0x188: {  	v1 =	vmin.f32 v1, v0;
	v2 =	vadd.f32 v7, v2;
	v3 =	vadd.f32 v6, v3;
	(pc) =	sbr.rel @p0 .LBB2_3-.Ltmp0, $3  }
0x189: {  	[tilespmem:s26+$0x19830] =	vst v1  }
0x18a: {  	v1 =	vadd.f32 v4, v2;
	v3 =	vadd.f32 v16, v3;
	v2 =	vmul.f32 v16, v16;
	_ =	sdelay $0x1  }
0x18b: {  	v2 =	vadd.f32 v2, v1;
	v1 =	vadd.f32 v5, v3;
	v3 =	vmul.f32 v5, v5  }
0x18c: {  	_ = 	snop  }
0x18d: {  	v61 =	vmul.f32 v0, v0;
	v2 =	vadd.f32 v3, v2  }
0x18e: {  	v62 =	vadd.f32 v0, v1  }
0x18f: {  	s25 =	sshll.u32 s24, $0x9;
	v63 =	vadd.f32 v61, v2  }
0x190: {  	s25 =	sadd.s32 s8, s25;
	[tilespmem:s26+$0x16830] =	vst v62  }
0x191: {  	s29 =	sadd.s32 s4, s25;
	[tilespmem:s26+$0x17830] =	vst v63  }
0x192: {  	[hbm4b:s29+s1] =	stream.linear.scatter [tilespmem:s19], [sflag:$0x2], $0x1000, $0x38;
	[tilespmem:$0x1A800] =	vst v63  }
0x193: {  	_ =	swait.ge [sflag:s11], $0x1000  }
0x194: {  	[sflag:s11] =	ssyncset.done $0x0  }
0x195: {  	s30 =	sadd.s32 s5, s25;
	[sflag:s11] =	ssyncadd.s32 $0xFFFFF000  }
0x196: {  	[hbm4b:s30+s1] =	stream.linear.scatter [tilespmem:s20], [sflag:$0x2], $0x1000, $0x38;
	[tilespmem:$0x1A800] =	vst v63  }
0x197: {  	_ =	swait.ge [sflag:s11], $0x1000  }
0x198: {  	[sflag:s11] =	ssyncset.done $0x0  }
0x199: {  	s31 =	sadd.s32 s6, s25;
	[sflag:s11] =	ssyncadd.s32 $0xFFFFF000  }
0x19a: {  	[hbm4b:s31+s1] =	stream.linear.scatter [tilespmem:s21], [sflag:$0x2], $0x1000, $0x38;
	[tilespmem:$0x1A800] =	vst v63  }
0x19b: {  	s24 =	sadd.s32 $0x1, s24;
	_ =	swait.ge [sflag:s11], $0x1000  }
0x19c: {  	p0 =	sne.s32 s24, $0x10;
	[sflag:s11] =	ssyncset.done $0x0  }
.Ltmp1:
0x19d: {  	s25 =	sadd.s32 s7, s25;
	[sflag:s11] =	ssyncadd.s32 $0xFFFFF000;
	(pc) =	sbr.rel @p0 .LBB2_2-.Ltmp1, $4  }
0x19e: {  	[hbm4b:s25+s1] =	stream.linear.scatter [tilespmem:s22], [sflag:$0x2], $0x1000, $0x38;
	[tilespmem:$0x1A800] =	vst v63  }
0x19f: {  	_ =	swait.ge [sflag:s11], $0x1000  }
0x1a0: {  	[sflag:s11] =	ssyncset.done $0x0  }
0x1a1: {  	[sflag:s11] =	ssyncadd.s32 $0xFFFFF000  }
0x1a2: {  	s23 =	sadd.s32 $0x1, s23  }
0x1a3: {  	p0 =	sne.s32 s23, s10  }
.Ltmp2:
0x1a4: {  	_ = 	snop;
	(pc) =	sbr.rel @p0 .LBB2_1-.Ltmp2, $1  }
0x1a5: {  	_ =	sdelay $0x3  }
0x1a6: {  	_ =	sfence.sel $0x180000  }
0x1a7: {  	[bflag:$0x0] =	sbarrier.arrive $0xFFFF  }
0x1a8: {  	p0 =	sne.s32 s2, $0x0;
	_ =	strace $0x90000047  }
0x1a9: {  	s0 =	sadd.s32 @!p0 $0x100000, s0;
	[bflag:$0x2] =	sbarrier.arrive $0xFFFF  }
0x1aa: {  	[sflag:s0] =	ssyncadd.tile.s32 @!p0 $0x1;
	_ =	shalt  }
.Lfunc_end2:
_tile_overlayer_lowered:
.L_overlay_start_2:
0x1ab: {  	(tag) =	ssettag $0x2  }
0x1ac: {  	s0 =	rddreg [dreg:$0x0];
	s2 =	stileid.u32  }
0x1ad: {  	s1 =	rddreg [dreg:$0x1];
	p0 =	sne.s32 s2, $0x0  }
0x1ae: {  	s3 =	rddreg [dreg:$0x2];
	[bflag:$0x3] =	sbarrier.arrive $0xFFFF;
	s2 =	simm.s32 @!p0 $0x1C02  }
0x1af: {  	[timem:s3], [sflag:s2] =	dma.local @!p0 [hbm:s0], s1  }
0x1b0: {  	s0 =	simm.s32 @!p0 $0x2  }
0x1b1: {  	_ =	swait.ge @!p0 [sflag:s0], s1  }
0x1b2: {  	s1 =	ssub.s32 @!p0 $0x0, s1;
	[sflag:s0] =	ssyncset.done @!p0 $0x0  }
0x1b3: {  	[sflag:s0] =	ssyncadd.s32 @!p0 s1  }
0x1b4: {  	[bflag:$0x3] =	sbarrier.arrive $0xFFFF  }
0x1b5: {  	_ =	shalt  }

</sc_bundles>
